<compile_context>
chip_gen: v7x
topology: tpu7x:2x2x1
jax: 0.10.2.dev20260603
libtpu: 0.0.44.dev20260713+nightly
codegen_flags: <defaults>
</compile_context>

<pallas_src>
import functools

import jax
import jax.numpy as jnp
from jax import lax
from jax.experimental import pallas as pl
from jax.experimental.pallas import tpu as pltpu
from jax.experimental.pallas import tpu_sc as plsc

G, NLOC, IN_DIM, D, PE_K, KMEM, NC, DEG, STEPS = 64, 156, 128, 256, 16, 32, 10, 16, 8
N1 = NLOC + 1
NP = 160
EPG = NLOC * DEG
F32 = jnp.float32


def _sc_build(c_2, u_2, base_flat):
    NW = 32
    NCORES = 2
    GPW = G // NW
    mesh = plsc.VectorSubcoreMesh(core_axis_name="c", subcore_axis_name="s")

    @functools.partial(
        pl.kernel,
        out_type=jax.ShapeDtypeStruct((G, NP * NP), F32),
        mesh=mesh,
        compiler_params=pltpu.CompilerParams(needs_layout_passes=False),
        scratch_types=[pltpu.VMEM((EPG,), jnp.int32),
                       pltpu.VMEM((EPG,), jnp.int32),
                       pltpu.VMEM((NP * NP,), F32)],
    )
    def scatter_kernel(c2_hbm, u2_hbm, base_hbm, a_hbm, c2_v, u2_v, loc_v):
        wid = lax.axis_index("s") * NCORES + lax.axis_index("c")
        ones = jnp.full((16,), 1.0, F32)
        for j in range(GPW):
            g = wid * GPW + j
            pltpu.sync_copy(base_hbm, loc_v)
            pltpu.sync_copy(c2_hbm.at[pl.ds(g * EPG, EPG)], c2_v)
            pltpu.sync_copy(u2_hbm.at[pl.ds(g * EPG, EPG)], u2_v)
            off = g * NLOC - 1

            def body(i):
                sv = c2_v[pl.ds(i * 16, 16)] - off
                dv = u2_v[pl.ds(i * 16, 16)] - off
                flat = sv * NP + dv
                plsc.store_scatter(loc_v, [flat], ones)

            pl.loop(0, EPG // 16)(body)
            pltpu.sync_copy(loc_v, a_hbm.at[g])

    return scatter_kernel(c_2, u_2, base_flat)


def _ln_fwd(x, g, b):
    m = jnp.mean(x, axis=-1, keepdims=True)
    v = jnp.mean((x - m) ** 2, axis=-1, keepdims=True)
    return g * (x - m) / jnp.sqrt(v + 1e-5) + b


def _main_kernel(xg_ref, A_ref, pe_ref,
                 eW1_ref, eb1_ref, eW2_ref, eb2_ref, elng_ref, elnb_ref,
                 peW_ref, peb_ref, cls_ref, eg_ref, ebv_ref,
                 Wq_ref, Wk_ref, Xi_ref, eta_ref,
                 rW1_ref, rb1_ref, rg1_ref, rbn1_ref,
                 rW2_ref, rb2_ref, rg2_ref, rbn2_ref,
                 rW3_ref, rb3_ref,
                 out_ref, t_ref, dg_ref):
    eW1 = eW1_ref[...]
    eb1 = eb1_ref[...]
    eW2 = eW2_ref[...]
    eb2 = eb2_ref[...]
    elng = elng_ref[...]
    elnb = elnb_ref[...]
    peW = peW_ref[...]
    peb = peb_ref[...]
    cls_row = cls_ref[...]
    eg = eg_ref[...]
    ebv = ebv_ref[...]
    Wq = Wq_ref[...]
    Wk = Wk_ref[...]
    Xi = Xi_ref[...]
    BF = jnp.bfloat16
    Wqh = Wq.astype(BF)
    Wkh = Wk.astype(BF)
    Xih = Xi.astype(BF)
    rowv = (lax.broadcasted_iota(jnp.int32, (NP, 1), 0) < N1)

    def enc_body(g, carry):
        xb = xg_ref[pl.ds(g, 1), :, :].reshape(NLOC, IN_DIM)
        h = jax.nn.gelu(jnp.dot(xb, eW1, preferred_element_type=F32) + eb1)
        z = jnp.dot(h, eW2, preferred_element_type=F32) + eb2
        z = _ln_fwd(z, elng, elnb)
        peg = pe_ref[pl.ds(g, 1), :, :].reshape(NP, PE_K)
        pep = jnp.dot(peg, peW, preferred_element_type=F32) + peb
        base = jnp.concatenate([cls_row, z, jnp.zeros((NP - N1, D), F32)], axis=0)
        t_ref[pl.ds(g, 1), :, :] = jnp.where(rowv, base + pep, 0.0).reshape(1, NP, D)
        return carry

    lax.fori_loop(0, G, enc_body, 0)

    eta = 0.25 * jax.nn.sigmoid(eta_ref[0, 0])
    beta = jnp.float32(0.0625)

    def step_body(s, carry):
        def dg_body(g, ssq):
            t = t_ref[pl.ds(g, 1), :, :].reshape(NP, D)
            m = jnp.mean(t, axis=-1, keepdims=True)
            var = jnp.mean((t - m) ** 2, axis=-1, keepdims=True)
            std = jnp.sqrt(var + 1e-5)
            xh = (t - m) / std
            gl = eg * xh + ebv
            glh = gl.astype(BF)
            qh = jnp.dot(glh, Wqh, preferred_element_type=F32).astype(BF)
            kh = jnp.dot(glh, Wkh, preferred_element_type=F32).astype(BF)
            a = beta * lax.dot_general(qh, kh, (((1,), (1,)), ((), ())),
                                       preferred_element_type=F32)
            Ag = A_ref[pl.ds(g, 1), :, :].reshape(NP, NP)
            a = jnp.where(Ag > 0.5, a, -1e30)
            amax = jnp.max(a, axis=-1, keepdims=True)
            ex = jnp.exp(a - amax)
            sm = ex / jnp.sum(ex, axis=-1, keepdims=True)
            sm = jnp.where(rowv, sm, 0.0)
            smh = sm.astype(BF)
            dq = -jnp.dot(smh, kh, preferred_element_type=F32)
            dk = -lax.dot_general(smh, qh, (((0,), (0,)), ((), ())),
                                  preferred_element_type=F32)
            pre = lax.dot_general(glh, Xih, (((1,), (1,)), ((), ())),
                                  preferred_element_type=F32)
            h = jnp.maximum(pre, 0.0)
            u = (lax.dot_general(dq.astype(BF), Wqh, (((1,), (1,)), ((), ())),
                                 preferred_element_type=F32)
                 + lax.dot_general(dk.astype(BF), Wkh, (((1,), (1,)), ((), ())),
                                   preferred_element_type=F32)
                 - jnp.dot(h.astype(BF), Xih, preferred_element_type=F32))
            w = u * eg
            dt = (w - jnp.mean(w, axis=-1, keepdims=True)
                  - xh * jnp.mean(w * xh, axis=-1, keepdims=True)) / std
            dt = jnp.where(rowv, dt, 0.0)
            dg_ref[pl.ds(g, 1), :, :] = dt.reshape(1, NP, D)
            return ssq + jnp.sum(dt * dt)

        ssq = lax.fori_loop(0, G, dg_body, jnp.float32(0.0))
        gn = jnp.sqrt(ssq + 1e-12)
        sc = eta * jnp.minimum(1.0, 1.0 / gn)

        def upd_body(g, carry2):
            tt = (t_ref[pl.ds(g, 1), :, :] - sc * dg_ref[pl.ds(g, 1), :, :]).reshape(NP, D)
            tn = jnp.sqrt(jnp.sum(tt * tt, axis=-1, keepdims=True) + 1e-12)
            t_ref[pl.ds(g, 1), :, :] = (tt * jnp.minimum(1.0, 10.0 / tn)).reshape(1, NP, D)
            return carry2

        lax.fori_loop(0, G, upd_body, 0)
        return carry

    lax.fori_loop(0, STEPS, step_body, 0)

    c = t_ref[:, 0, :]
    h1 = jax.nn.gelu(jnp.dot(c, rW1_ref[...], preferred_element_type=F32) + rb1_ref[...])
    h1 = _ln_fwd(h1, rg1_ref[...], rbn1_ref[...])
    h2 = jax.nn.gelu(jnp.dot(h1, rW2_ref[...], preferred_element_type=F32) + rb2_ref[...])
    h2 = _ln_fwd(h2, rg2_ref[...], rbn2_ref[...])
    out_ref[...] = jnp.dot(h2, rW3_ref[...], preferred_element_type=F32) + rb3_ref[...]


def kernel(x, c_2, u_2, ptr, enc_W1, enc_b1, enc_W2, enc_b2, enc_ln_g,
           enc_ln_b, pe_W, pe_b, cls, eln_g, eln_b, Wq, Wk, Xi, eta_logit,
           r_W1, r_b1, r_ln1_g, r_ln1_b, r_W2, r_b2, r_ln2_g, r_ln2_b,
           r_W3, r_b3):
    ri = jnp.arange(NP)
    row0 = ((ri >= 1) & (ri < N1)).astype(F32)
    base2 = jnp.zeros((NP, NP), F32).at[0, :].set(row0).at[:, 0].set(row0)
    A = _sc_build(c_2, u_2, base2.reshape(NP * NP)).reshape(G, NP, NP)

    Ad = A[:, :N1, :N1]
    Af = jnp.maximum(Ad, jnp.swapaxes(Ad, 1, 2))
    deg = Af.sum(-1)
    dinv = 1.0 / jnp.sqrt(jnp.maximum(deg, 1.0))
    L = jnp.eye(N1, dtype=F32)[None] - dinv[:, :, None] * Af * dinv[:, None, :]
    _, v = jnp.linalg.eigh(L)
    pe = v[:, :, 1:PE_K + 1]
    pe_pad = jnp.pad(pe, ((0, 0), (0, NP - N1), (0, 0)))

    xg = x.reshape(G, NLOC, IN_DIM)
    row2 = lambda a: a.reshape(1, -1)
    args = (xg, A, pe_pad,
            enc_W1, row2(enc_b1), enc_W2, row2(enc_b2), row2(enc_ln_g), row2(enc_ln_b),
            pe_W, row2(pe_b), cls, row2(eln_g), row2(eln_b),
            Wq, Wk, Xi, eta_logit.reshape(1, 1),
            r_W1, row2(r_b1), row2(r_ln1_g), row2(r_ln1_b),
            r_W2, row2(r_b2), row2(r_ln2_g), row2(r_ln2_b),
            r_W3, row2(r_b3))
    out = pl.pallas_call(
        _main_kernel,
        out_shape=jax.ShapeDtypeStruct((G, NC), F32),
        scratch_shapes=[pltpu.VMEM((G, NP, D), F32),
                        pltpu.VMEM((G, NP, D), F32)],
    )(*args)
    return out

# --- scband reference (transcript-rebuilt; emitter-appended) ---
"""Pipeline reference for scband-etfaithful-graph-model-64948495450207 (READ-ONLY COPY).

The authoritative reference and input builder live on the scoring server;
editing this copy changes nothing except your own understanding.
"""

import jax, jax.numpy as jnp
import numpy as np

G, NLOC, IN_DIM, D, PE_K, KMEM, NC, DEG, STEPS = 64, 156, 128, 256, 16, 32, 10, 16, 8


def _ln(x, g, b, eps=1e-5):
    m = x.mean(-1, keepdims=True)
    v = ((x - m) ** 2).mean(-1, keepdims=True)
    return g * (x - m) / jnp.sqrt(v + eps) + b


def setup_inputs(seed: int = 0) -> dict:
    key = jax.random.key(seed)
    ks = jax.random.split(key, 24)
    N = G * NLOC
    E = G * NLOC * DEG
    x = jax.random.normal(ks[0], (N, IN_DIM), jnp.float32)
    gid = jnp.repeat(jnp.arange(G), NLOC * DEG)
    src = jax.random.randint(ks[1], (E,), 0, NLOC)
    dst = jax.random.randint(ks[2], (E,), 0, NLOC)
    c_2 = (gid * NLOC + src).astype(jnp.int32)
    u_2 = (gid * NLOC + dst).astype(jnp.int32)
    ptr = (jnp.arange(G + 1) * NLOC).astype(jnp.int32)

    def rn(k, s, sc):
        return jax.random.normal(k, s, jnp.float32) * sc

    p = dict(
        enc_W1=rn(ks[3], (IN_DIM, 2 * D), 0.05), enc_b1=jnp.zeros((2 * D,), jnp.float32),
        enc_W2=rn(ks[4], (2 * D, D), 0.05), enc_b2=jnp.zeros((D,), jnp.float32),
        enc_ln_g=jnp.ones((D,), jnp.float32), enc_ln_b=jnp.zeros((D,), jnp.float32),
        pe_W=rn(ks[5], (PE_K, D), 0.1), pe_b=jnp.zeros((D,), jnp.float32),
        cls=rn(ks[6], (1, D), 0.02),
        eln_g=jnp.ones((D,), jnp.float32), eln_b=jnp.zeros((D,), jnp.float32),
        Wq=rn(ks[7], (D, D), 0.05), Wk=rn(ks[8], (D, D), 0.05),
        Xi=rn(ks[9], (KMEM, D), 0.05),
        eta_logit=jnp.asarray(-1.3862944, jnp.float32),
        r_W1=rn(ks[10], (D, 2 * D), 0.05), r_b1=jnp.zeros((2 * D,), jnp.float32),
        r_ln1_g=jnp.ones((2 * D,), jnp.float32), r_ln1_b=jnp.zeros((2 * D,), jnp.float32),
        r_W2=rn(ks[11], (2 * D, D), 0.05), r_b2=jnp.zeros((D,), jnp.float32),
        r_ln2_g=jnp.ones((D,), jnp.float32), r_ln2_b=jnp.zeros((D,), jnp.float32),
        r_W3=rn(ks[12], (D, NC), 0.05), r_b3=jnp.zeros((NC,), jnp.float32),
    )
    out = {"x": x, "c_2": c_2, "u_2": u_2, "ptr": ptr}
    out.update(p)
    return out


def _build(c_2, u_2, ptr):
    n1 = NLOC + 1
    gid = c_2 // NLOC
    src = c_2 - gid * NLOC
    dst = u_2 - gid * NLOC
    adj = jnp.zeros((G, n1, n1), bool).at[gid, src + 1, dst + 1].set(True)
    adj = adj.at[:, 0, 1:].set(True).at[:, 1:, 0].set(True)
    A = adj.astype(jnp.float32)
    A = jnp.maximum(A, jnp.swapaxes(A, 1, 2))
    deg = A.sum(-1)
    dinv = 1.0 / jnp.sqrt(jnp.maximum(deg, 1.0))
    L = jnp.eye(n1, dtype=jnp.float32)[None] - dinv[:, :, None] * A * dinv[:, None, :]
    w, v = jnp.linalg.eigh(L)
    pe = v[:, :, 1:PE_K + 1]
    return adj, pe


def _energy(t, adj, p):
    g = _ln(t, p['eln_g'], p['eln_b'])
    q = g @ p['Wq']
    k = g @ p['Wk']
    beta = 1.0 / jnp.sqrt(jnp.float32(D))
    a = beta * jnp.einsum('gid,gjd->gij', q, k)
    a = jnp.where(adj, a, -1e30)
    lse = jax.scipy.special.logsumexp(a, axis=-1)
    has = adj.any(-1)
    e_att = -(1.0 / beta) * jnp.sum(jnp.where(has, lse, 0.0))
    h = jax.nn.relu(g @ p['Xi'].T)
    e_hn = -0.5 * jnp.sum(h * h)
    return e_att + e_hn


def _fwd(x, adj, pe, p):
    z = jax.nn.gelu(x @ p['enc_W1'] + p['enc_b1'])
    z = z @ p['enc_W2'] + p['enc_b2']
    z = _ln(z, p['enc_ln_g'], p['enc_ln_b'])
    z = z.reshape(G, NLOC, D)
    cls = jnp.broadcast_to(p['cls'][None], (G, 1, D))
    t = jnp.concatenate([cls, z], axis=1) + (pe @ p['pe_W'] + p['pe_b'])
    eta = 0.25 * jax.nn.sigmoid(p['eta_logit'])
    egrad = jax.grad(_energy, argnums=0)
    for _ in range(STEPS):
        dg = egrad(t, adj, p)
        gn = jnp.sqrt(jnp.sum(dg * dg) + 1e-12)
        dg = dg * jnp.minimum(1.0, 1.0 / gn)
        t = t - eta * dg
        tn = jnp.sqrt(jnp.sum(t * t, -1, keepdims=True) + 1e-12)
        t = t * jnp.minimum(1.0, 10.0 / tn)
    c = t[:, 0, :]
    h = jax.nn.gelu(c @ p['r_W1'] + p['r_b1'])
    h = _ln(h, p['r_ln1_g'], p['r_ln1_b'])
    h = jax.nn.gelu(h @ p['r_W2'] + p['r_b2'])
    h = _ln(h, p['r_ln2_g'], p['r_ln2_b'])
    return h @ p['r_W3'] + p['r_b3']


def reference(x, c_2, u_2, ptr, enc_W1, enc_b1, enc_W2, enc_b2, enc_ln_g,
              enc_ln_b, pe_W, pe_b, cls, eln_g, eln_b, Wq, Wk, Xi, eta_logit,
              r_W1, r_b1, r_ln1_g, r_ln1_b, r_W2, r_b2, r_ln2_g, r_ln2_b,
              r_W3, r_b3):
    p = dict(
        enc_W1=enc_W1, enc_b1=enc_b1, enc_W2=enc_W2, enc_b2=enc_b2,
        enc_ln_g=enc_ln_g, enc_ln_b=enc_ln_b, pe_W=pe_W, pe_b=pe_b, cls=cls,
        eln_g=eln_g, eln_b=eln_b, Wq=Wq, Wk=Wk, Xi=Xi, eta_logit=eta_logit,
        r_W1=r_W1, r_b1=r_b1, r_ln1_g=r_ln1_g, r_ln1_b=r_ln1_b,
        r_W2=r_W2, r_b2=r_b2, r_ln2_g=r_ln2_g, r_ln2_b=r_ln2_b,
        r_W3=r_W3, r_b3=r_b3,
    )
    adj, pe = _build(c_2, u_2, ptr)
    return _fwd(x, adj, pe, p)

if __name__ == "__main__":
    import jax
    _d = setup_inputs()
    print(jax.jit(kernel)(*tuple(_d.values())))

</pallas_src>

<mosaic_0001>
#map = affine_map<(d0, d1) -> (0)>
#map1 = affine_map<(d0, d1) -> (0, 0)>
module attributes {stable_mosaic.version = 14 : i64} {
  func.func @scatter_kernel(%arg0: i32, %arg1: i32, %arg2: memref<159744xi32, #tpu.memory_space<hbm>>, %arg3: memref<159744xi32, #tpu.memory_space<hbm>>, %arg4: memref<25600xf32, #tpu.memory_space<hbm>>, %arg5: memref<64x25600xf32, #tpu.memory_space<hbm>>, %arg6: memref<2496xi32, #tpu.memory_space<vmem>>, %arg7: memref<2496xi32, #tpu.memory_space<vmem>>, %arg8: memref<25600xf32, #tpu.memory_space<vmem>>) attributes {dimension_semantics = [#tpu.dimension_semantics<core_parallel>, #tpu.dimension_semantics<subcore_parallel>], iteration_bounds = array<i64: 2, 16>, scalar_prefetch = 0 : i64, scratch_operands = 3 : i64, tpu.core_type = #tpu.core_type<sc_vector_subcore>, window_params = [{transform_indices = #map}, {transform_indices = #map}, {transform_indices = #map}, {transform_indices = #map1}]} {
    %mul3A = arith.constant 2 : i32
    %mul3A_0 = arith.muli %arg1, %mul3A : i32
    %add3A = arith.addi %mul3A_0, %arg0 : i32
    %broadcast_in_dim3A = arith.constant 1.000000e+00 : f32
    %broadcast_in_dim3A_1 = vector.broadcast %broadcast_in_dim3A : f32 to vector<16xf32>
    %mul3A_2 = arith.constant 2 : i32
    %mul3A_3 = arith.muli %add3A, %mul3A_2 : i32
    %add3A_4 = arith.constant 0 : i32
    %add3A_5 = arith.addi %mul3A_3, %add3A_4 : i32
    "tpu.region"() ({
      %run_scoped3A = tpu.sem_alloc : memref<!tpu.dma_semaphore, #tpu.memory_space<semaphore_mem>>
      tpu.enqueue_dma source(%arg4 : memref<25600xf32, #tpu.memory_space<hbm>>) target(%arg8 : memref<25600xf32, #tpu.memory_space<vmem>>) target_semaphore(%run_scoped3A : memref<!tpu.dma_semaphore, #tpu.memory_space<semaphore_mem>>)
      tpu.wait_dma2 semaphore(%run_scoped3A : memref<!tpu.dma_semaphore, #tpu.memory_space<semaphore_mem>>) src(%arg4 : memref<25600xf32, #tpu.memory_space<hbm>>) dst(%arg8 : memref<25600xf32, #tpu.memory_space<vmem>>)
      tpu.yield
    }) : () -> ()
    %mul3A_6 = arith.constant 2496 : i32
    %mul3A_7 = arith.muli %add3A_5, %mul3A_6 : i32
    "tpu.region"() ({
      %run_scoped3A = tpu.sem_alloc : memref<!tpu.dma_semaphore, #tpu.memory_space<semaphore_mem>>
      %dma_start3A = tpu.memref_slice %arg2[%mul3A_7] : memref<159744xi32, #tpu.memory_space<hbm>> -> memref<2496xi32, #tpu.memory_space<hbm>>
      %dma_start3A_34 = tpu.memref_slice %arg2[%mul3A_7] : memref<159744xi32, #tpu.memory_space<hbm>> -> memref<2496xi32, #tpu.memory_space<hbm>>
      tpu.enqueue_dma source(%dma_start3A_34 : memref<2496xi32, #tpu.memory_space<hbm>>) target(%arg6 : memref<2496xi32, #tpu.memory_space<vmem>>) target_semaphore(%run_scoped3A : memref<!tpu.dma_semaphore, #tpu.memory_space<semaphore_mem>>)
      %dma_wait3A = tpu.memref_slice %arg2[%mul3A_7] : memref<159744xi32, #tpu.memory_space<hbm>> -> memref<2496xi32, #tpu.memory_space<hbm>>
      %dma_wait3A_35 = tpu.memref_slice %arg2[%mul3A_7] : memref<159744xi32, #tpu.memory_space<hbm>> -> memref<2496xi32, #tpu.memory_space<hbm>>
      tpu.wait_dma2 semaphore(%run_scoped3A : memref<!tpu.dma_semaphore, #tpu.memory_space<semaphore_mem>>) src(%dma_wait3A_35 : memref<2496xi32, #tpu.memory_space<hbm>>) dst(%arg6 : memref<2496xi32, #tpu.memory_space<vmem>>)
      tpu.yield
    }) : () -> ()
    %mul3A_8 = arith.constant 2496 : i32
    %mul3A_9 = arith.muli %add3A_5, %mul3A_8 : i32
    "tpu.region"() ({
      %run_scoped3A = tpu.sem_alloc : memref<!tpu.dma_semaphore, #tpu.memory_space<semaphore_mem>>
      %dma_start3A = tpu.memref_slice %arg3[%mul3A_9] : memref<159744xi32, #tpu.memory_space<hbm>> -> memref<2496xi32, #tpu.memory_space<hbm>>
      %dma_start3A_34 = tpu.memref_slice %arg3[%mul3A_9] : memref<159744xi32, #tpu.memory_space<hbm>> -> memref<2496xi32, #tpu.memory_space<hbm>>
      tpu.enqueue_dma source(%dma_start3A_34 : memref<2496xi32, #tpu.memory_space<hbm>>) target(%arg7 : memref<2496xi32, #tpu.memory_space<vmem>>) target_semaphore(%run_scoped3A : memref<!tpu.dma_semaphore, #tpu.memory_space<semaphore_mem>>)
      %dma_wait3A = tpu.memref_slice %arg3[%mul3A_9] : memref<159744xi32, #tpu.memory_space<hbm>> -> memref<2496xi32, #tpu.memory_space<hbm>>
      %dma_wait3A_35 = tpu.memref_slice %arg3[%mul3A_9] : memref<159744xi32, #tpu.memory_space<hbm>> -> memref<2496xi32, #tpu.memory_space<hbm>>
      tpu.wait_dma2 semaphore(%run_scoped3A : memref<!tpu.dma_semaphore, #tpu.memory_space<semaphore_mem>>) src(%dma_wait3A_35 : memref<2496xi32, #tpu.memory_space<hbm>>) dst(%arg7 : memref<2496xi32, #tpu.memory_space<vmem>>)
      tpu.yield
    }) : () -> ()
    %mul3A_10 = arith.constant 156 : i32
    %mul3A_11 = arith.muli %add3A_5, %mul3A_10 : i32
    %sub3A = arith.constant 1 : i32
    %sub3A_12 = arith.subi %mul3A_11, %sub3A : i32
    %scan3A = arith.constant 0 : i32
    %scan3A_13 = arith.constant 156 : i32
    %scan3A_14 = arith.addi %scan3A, %scan3A_13 : i32
    %scan3A_15 = arith.constant 1 : i32
    scf.for %scan3A_34 = %scan3A to %scan3A_14 step %scan3A_15  : i32 {
      %mul3A_35 = arith.constant 1 : i32
      %mul3A_36 = arith.muli %scan3A_34, %mul3A_35 : i32
      %add3A_37 = arith.constant 0 : i32
      %add3A_38 = arith.addi %add3A_37, %mul3A_36 : i32
      %mul3A_39 = arith.constant 16 : i32
      %mul3A_40 = arith.muli %add3A_38, %mul3A_39 : i32
      %get3A = arith.index_cast %mul3A_40 : i32 to index
      %get3A_41 = tpu.vector_load %arg6[%get3A] {strides = array<i32>} : memref<2496xi32, #tpu.memory_space<vmem>>, vector<16xi32>,
      %sub3A_42 = vector.broadcast %sub3A_12 : i32 to vector<16xi32>
      %sub3A_43 = arith.subi %get3A_41, %sub3A_42 : vector<16xi32>
      %mul3A_44 = arith.constant 16 : i32
      %mul3A_45 = arith.muli %add3A_38, %mul3A_44 : i32
      %get3A_46 = arith.index_cast %mul3A_45 : i32 to index
      %get3A_47 = tpu.vector_load %arg7[%get3A_46] {strides = array<i32>} : memref<2496xi32, #tpu.memory_space<vmem>>, vector<16xi32>,
      %sub3A_48 = vector.broadcast %sub3A_12 : i32 to vector<16xi32>
      %sub3A_49 = arith.subi %get3A_47, %sub3A_48 : vector<16xi32>
      %mul3A_50 = arith.constant 160 : i32
      %mul3A_51 = vector.broadcast %mul3A_50 : i32 to vector<16xi32>
      %mul3A_52 = arith.muli %sub3A_43, %mul3A_51 : vector<16xi32>
      %add3A_53 = arith.addi %mul3A_52, %sub3A_49 : vector<16xi32>
      tpu.vector_store_idx %arg8[%add3A_53], %broadcast_in_dim3A_1 : memref<25600xf32, #tpu.memory_space<vmem>>[vector<16xi32>], vector<16xf32>,
    }
    %scan3A_16 = arith.constant 156 : i32
    "tpu.region"() ({
      %run_scoped3A = tpu.sem_alloc : memref<!tpu.dma_semaphore, #tpu.memory_space<semaphore_mem>>
      %dma_start3A = arith.constant 0 : i32
      %dma_start3A_34 = tpu.memref_slice %arg5[%add3A_5, %dma_start3A] : memref<64x25600xf32, #tpu.memory_space<hbm>> -> memref<1x25600xf32, #tpu.memory_space<hbm>>
      %dma_start3A_35 = tpu.memref_squeeze %dma_start3A_34 : memref<1x25600xf32, #tpu.memory_space<hbm>> -> memref<25600xf32, #tpu.memory_space<hbm>>
      %dma_start3A_36 = arith.constant 0 : i32
      %dma_start3A_37 = tpu.memref_slice %arg5[%add3A_5, %dma_start3A_36] : memref<64x25600xf32, #tpu.memory_space<hbm>> -> memref<1x25600xf32, #tpu.memory_space<hbm>>
      %dma_start3A_38 = tpu.memref_squeeze %dma_start3A_37 : memref<1x25600xf32, #tpu.memory_space<hbm>> -> memref<25600xf32, #tpu.memory_space<hbm>>
      tpu.enqueue_dma source(%arg8 : memref<25600xf32, #tpu.memory_space<vmem>>) target(%dma_start3A_38 : memref<25600xf32, #tpu.memory_space<hbm>>) target_semaphore(%run_scoped3A : memref<!tpu.dma_semaphore, #tpu.memory_space<semaphore_mem>>)
      %dma_wait3A = arith.constant 0 : i32
      %dma_wait3A_39 = tpu.memref_slice %arg5[%add3A_5, %dma_wait3A] : memref<64x25600xf32, #tpu.memory_space<hbm>> -> memref<1x25600xf32, #tpu.memory_space<hbm>>
      %dma_wait3A_40 = tpu.memref_squeeze %dma_wait3A_39 : memref<1x25600xf32, #tpu.memory_space<hbm>> -> memref<25600xf32, #tpu.memory_space<hbm>>
      %dma_wait3A_41 = arith.constant 0 : i32
      %dma_wait3A_42 = tpu.memref_slice %arg5[%add3A_5, %dma_wait3A_41] : memref<64x25600xf32, #tpu.memory_space<hbm>> -> memref<1x25600xf32, #tpu.memory_space<hbm>>
      %dma_wait3A_43 = tpu.memref_squeeze %dma_wait3A_42 : memref<1x25600xf32, #tpu.memory_space<hbm>> -> memref<25600xf32, #tpu.memory_space<hbm>>
      tpu.wait_dma2 semaphore(%run_scoped3A : memref<!tpu.dma_semaphore, #tpu.memory_space<semaphore_mem>>) src(%arg8 : memref<25600xf32, #tpu.memory_space<vmem>>) dst(%dma_wait3A_43 : memref<25600xf32, #tpu.memory_space<hbm>>)
      tpu.yield
    }) : () -> ()
    %mul3A_17 = arith.constant 2 : i32
    %mul3A_18 = arith.muli %add3A, %mul3A_17 : i32
    %add3A_19 = arith.constant 1 : i32
    %add3A_20 = arith.addi %mul3A_18, %add3A_19 : i32
    "tpu.region"() ({
      %run_scoped3A = tpu.sem_alloc : memref<!tpu.dma_semaphore, #tpu.memory_space<semaphore_mem>>
      tpu.enqueue_dma source(%arg4 : memref<25600xf32, #tpu.memory_space<hbm>>) target(%arg8 : memref<25600xf32, #tpu.memory_space<vmem>>) target_semaphore(%run_scoped3A : memref<!tpu.dma_semaphore, #tpu.memory_space<semaphore_mem>>)
      tpu.wait_dma2 semaphore(%run_scoped3A : memref<!tpu.dma_semaphore, #tpu.memory_space<semaphore_mem>>) src(%arg4 : memref<25600xf32, #tpu.memory_space<hbm>>) dst(%arg8 : memref<25600xf32, #tpu.memory_space<vmem>>)
      tpu.yield
    }) : () -> ()
    %mul3A_21 = arith.constant 2496 : i32
    %mul3A_22 = arith.muli %add3A_20, %mul3A_21 : i32
    "tpu.region"() ({
      %run_scoped3A = tpu.sem_alloc : memref<!tpu.dma_semaphore, #tpu.memory_space<semaphore_mem>>
      %dma_start3A = tpu.memref_slice %arg2[%mul3A_22] : memref<159744xi32, #tpu.memory_space<hbm>> -> memref<2496xi32, #tpu.memory_space<hbm>>
      %dma_start3A_34 = tpu.memref_slice %arg2[%mul3A_22] : memref<159744xi32, #tpu.memory_space<hbm>> -> memref<2496xi32, #tpu.memory_space<hbm>>
      tpu.enqueue_dma source(%dma_start3A_34 : memref<2496xi32, #tpu.memory_space<hbm>>) target(%arg6 : memref<2496xi32, #tpu.memory_space<vmem>>) target_semaphore(%run_scoped3A : memref<!tpu.dma_semaphore, #tpu.memory_space<semaphore_mem>>)
      %dma_wait3A = tpu.memref_slice %arg2[%mul3A_22] : memref<159744xi32, #tpu.memory_space<hbm>> -> memref<2496xi32, #tpu.memory_space<hbm>>
      %dma_wait3A_35 = tpu.memref_slice %arg2[%mul3A_22] : memref<159744xi32, #tpu.memory_space<hbm>> -> memref<2496xi32, #tpu.memory_space<hbm>>
      tpu.wait_dma2 semaphore(%run_scoped3A : memref<!tpu.dma_semaphore, #tpu.memory_space<semaphore_mem>>) src(%dma_wait3A_35 : memref<2496xi32, #tpu.memory_space<hbm>>) dst(%arg6 : memref<2496xi32, #tpu.memory_space<vmem>>)
      tpu.yield
    }) : () -> ()
    %mul3A_23 = arith.constant 2496 : i32
    %mul3A_24 = arith.muli %add3A_20, %mul3A_23 : i32
    "tpu.region"() ({
      %run_scoped3A = tpu.sem_alloc : memref<!tpu.dma_semaphore, #tpu.memory_space<semaphore_mem>>
      %dma_start3A = tpu.memref_slice %arg3[%mul3A_24] : memref<159744xi32, #tpu.memory_space<hbm>> -> memref<2496xi32, #tpu.memory_space<hbm>>
      %dma_start3A_34 = tpu.memref_slice %arg3[%mul3A_24] : memref<159744xi32, #tpu.memory_space<hbm>> -> memref<2496xi32, #tpu.memory_space<hbm>>
      tpu.enqueue_dma source(%dma_start3A_34 : memref<2496xi32, #tpu.memory_space<hbm>>) target(%arg7 : memref<2496xi32, #tpu.memory_space<vmem>>) target_semaphore(%run_scoped3A : memref<!tpu.dma_semaphore, #tpu.memory_space<semaphore_mem>>)
      %dma_wait3A = tpu.memref_slice %arg3[%mul3A_24] : memref<159744xi32, #tpu.memory_space<hbm>> -> memref<2496xi32, #tpu.memory_space<hbm>>
      %dma_wait3A_35 = tpu.memref_slice %arg3[%mul3A_24] : memref<159744xi32, #tpu.memory_space<hbm>> -> memref<2496xi32, #tpu.memory_space<hbm>>
      tpu.wait_dma2 semaphore(%run_scoped3A : memref<!tpu.dma_semaphore, #tpu.memory_space<semaphore_mem>>) src(%dma_wait3A_35 : memref<2496xi32, #tpu.memory_space<hbm>>) dst(%arg7 : memref<2496xi32, #tpu.memory_space<vmem>>)
      tpu.yield
    }) : () -> ()
    %mul3A_25 = arith.constant 156 : i32
    %mul3A_26 = arith.muli %add3A_20, %mul3A_25 : i32
    %sub3A_27 = arith.constant 1 : i32
    %sub3A_28 = arith.subi %mul3A_26, %sub3A_27 : i32
    %scan3A_29 = arith.constant 0 : i32
    %scan3A_30 = arith.constant 156 : i32
    %scan3A_31 = arith.addi %scan3A_29, %scan3A_30 : i32
    %scan3A_32 = arith.constant 1 : i32
    scf.for %scan3A_34 = %scan3A_29 to %scan3A_31 step %scan3A_32  : i32 {
      %mul3A_35 = arith.constant 1 : i32
      %mul3A_36 = arith.muli %scan3A_34, %mul3A_35 : i32
      %add3A_37 = arith.constant 0 : i32
      %add3A_38 = arith.addi %add3A_37, %mul3A_36 : i32
      %mul3A_39 = arith.constant 16 : i32
      %mul3A_40 = arith.muli %add3A_38, %mul3A_39 : i32
      %get3A = arith.index_cast %mul3A_40 : i32 to index
      %get3A_41 = tpu.vector_load %arg6[%get3A] {strides = array<i32>} : memref<2496xi32, #tpu.memory_space<vmem>>, vector<16xi32>,
      %sub3A_42 = vector.broadcast %sub3A_28 : i32 to vector<16xi32>
      %sub3A_43 = arith.subi %get3A_41, %sub3A_42 : vector<16xi32>
      %mul3A_44 = arith.constant 16 : i32
      %mul3A_45 = arith.muli %add3A_38, %mul3A_44 : i32
      %get3A_46 = arith.index_cast %mul3A_45 : i32 to index
      %get3A_47 = tpu.vector_load %arg7[%get3A_46] {strides = array<i32>} : memref<2496xi32, #tpu.memory_space<vmem>>, vector<16xi32>,
      %sub3A_48 = vector.broadcast %sub3A_28 : i32 to vector<16xi32>
      %sub3A_49 = arith.subi %get3A_47, %sub3A_48 : vector<16xi32>
      %mul3A_50 = arith.constant 160 : i32
      %mul3A_51 = vector.broadcast %mul3A_50 : i32 to vector<16xi32>
      %mul3A_52 = arith.muli %sub3A_43, %mul3A_51 : vector<16xi32>
      %add3A_53 = arith.addi %mul3A_52, %sub3A_49 : vector<16xi32>
      tpu.vector_store_idx %arg8[%add3A_53], %broadcast_in_dim3A_1 : memref<25600xf32, #tpu.memory_space<vmem>>[vector<16xi32>], vector<16xf32>,
    }
    %scan3A_33 = arith.constant 156 : i32
    "tpu.region"() ({
      %run_scoped3A = tpu.sem_alloc : memref<!tpu.dma_semaphore, #tpu.memory_space<semaphore_mem>>
      %dma_start3A = arith.constant 0 : i32
      %dma_start3A_34 = tpu.memref_slice %arg5[%add3A_20, %dma_start3A] : memref<64x25600xf32, #tpu.memory_space<hbm>> -> memref<1x25600xf32, #tpu.memory_space<hbm>>
      %dma_start3A_35 = tpu.memref_squeeze %dma_start3A_34 : memref<1x25600xf32, #tpu.memory_space<hbm>> -> memref<25600xf32, #tpu.memory_space<hbm>>
      %dma_start3A_36 = arith.constant 0 : i32
      %dma_start3A_37 = tpu.memref_slice %arg5[%add3A_20, %dma_start3A_36] : memref<64x25600xf32, #tpu.memory_space<hbm>> -> memref<1x25600xf32, #tpu.memory_space<hbm>>
      %dma_start3A_38 = tpu.memref_squeeze %dma_start3A_37 : memref<1x25600xf32, #tpu.memory_space<hbm>> -> memref<25600xf32, #tpu.memory_space<hbm>>
      tpu.enqueue_dma source(%arg8 : memref<25600xf32, #tpu.memory_space<vmem>>) target(%dma_start3A_38 : memref<25600xf32, #tpu.memory_space<hbm>>) target_semaphore(%run_scoped3A : memref<!tpu.dma_semaphore, #tpu.memory_space<semaphore_mem>>)
      %dma_wait3A = arith.constant 0 : i32
      %dma_wait3A_39 = tpu.memref_slice %arg5[%add3A_20, %dma_wait3A] : memref<64x25600xf32, #tpu.memory_space<hbm>> -> memref<1x25600xf32, #tpu.memory_space<hbm>>
      %dma_wait3A_40 = tpu.memref_squeeze %dma_wait3A_39 : memref<1x25600xf32, #tpu.memory_space<hbm>> -> memref<25600xf32, #tpu.memory_space<hbm>>
      %dma_wait3A_41 = arith.constant 0 : i32
      %dma_wait3A_42 = tpu.memref_slice %arg5[%add3A_20, %dma_wait3A_41] : memref<64x25600xf32, #tpu.memory_space<hbm>> -> memref<1x25600xf32, #tpu.memory_space<hbm>>
      %dma_wait3A_43 = tpu.memref_squeeze %dma_wait3A_42 : memref<1x25600xf32, #tpu.memory_space<hbm>> -> memref<25600xf32, #tpu.memory_space<hbm>>
      tpu.wait_dma2 semaphore(%run_scoped3A : memref<!tpu.dma_semaphore, #tpu.memory_space<semaphore_mem>>) src(%arg8 : memref<25600xf32, #tpu.memory_space<vmem>>) dst(%dma_wait3A_43 : memref<25600xf32, #tpu.memory_space<hbm>>)
      tpu.yield
    }) : () -> ()
    return
  }
}

module attributes {stable_mosaic.version = 14 : i64} {
  func.func @_main_kernel(%arg0: memref<64x156x128xf32, #tpu.memory_space<vmem>>, %arg1: memref<64x160x160xf32, #tpu.memory_space<vmem>>, %arg2: memref<64x160x16xf32, #tpu.memory_space<vmem>>, %arg3: memref<128x512xf32, #tpu.memory_space<vmem>>, %arg4: memref<1x512xf32, #tpu.memory_space<vmem>>, %arg5: memref<512x256xf32, #tpu.memory_space<vmem>>, %arg6: memref<1x256xf32, #tpu.memory_space<vmem>>, %arg7: memref<1x256xf32, #tpu.memory_space<vmem>>, %arg8: memref<1x256xf32, #tpu.memory_space<vmem>>, %arg9: memref<16x256xf32, #tpu.memory_space<vmem>>, %arg10: memref<1x256xf32, #tpu.memory_space<vmem>>, %arg11: memref<1x256xf32, #tpu.memory_space<vmem>>, %arg12: memref<1x256xf32, #tpu.memory_space<vmem>>, %arg13: memref<1x256xf32, #tpu.memory_space<vmem>>, %arg14: memref<256x256xf32, #tpu.memory_space<vmem>>, %arg15: memref<256x256xf32, #tpu.memory_space<vmem>>, %arg16: memref<32x256xf32, #tpu.memory_space<vmem>>, %arg17: memref<1x1xf32, #tpu.memory_space<vmem>>, %arg18: memref<256x512xf32, #tpu.memory_space<vmem>>, %arg19: memref<1x512xf32, #tpu.memory_space<vmem>>, %arg20: memref<1x512xf32, #tpu.memory_space<vmem>>, %arg21: memref<1x512xf32, #tpu.memory_space<vmem>>, %arg22: memref<512x256xf32, #tpu.memory_space<vmem>>, %arg23: memref<1x256xf32, #tpu.memory_space<vmem>>, %arg24: memref<1x256xf32, #tpu.memory_space<vmem>>, %arg25: memref<1x256xf32, #tpu.memory_space<vmem>>, %arg26: memref<256x10xf32, #tpu.memory_space<vmem>>, %arg27: memref<1x10xf32, #tpu.memory_space<vmem>>, %arg28: memref<64x10xf32, #tpu.memory_space<vmem>>, %arg29: memref<64x160x256xf32, #tpu.memory_space<vmem>>, %arg30: memref<64x160x256xf32, #tpu.memory_space<vmem>>) attributes {dimension_semantics = [], scalar_prefetch = 0 : i64, scratch_operands = 2 : i64, tpu.core_type = #tpu.core_type<tc>} {
    %get3A = arith.constant 0 : index
    %get3A_0 = arith.constant 0 : index
    %get3A_1 = vector.load %arg3[%get3A, %get3A_0] : memref<128x512xf32, #tpu.memory_space<vmem>>, vector<128x512xf32>
    %get3A_2 = arith.constant 0 : index
    %get3A_3 = arith.constant 0 : index
    %get3A_4 = vector.load %arg4[%get3A_2, %get3A_3] : memref<1x512xf32, #tpu.memory_space<vmem>>, vector<1x512xf32>
    %get3A_5 = arith.constant 0 : index
    %get3A_6 = arith.constant 0 : index
    %get3A_7 = vector.load %arg5[%get3A_5, %get3A_6] : memref<512x256xf32, #tpu.memory_space<vmem>>, vector<512x256xf32>
    %get3A_8 = arith.constant 0 : index
    %get3A_9 = arith.constant 0 : index
    %get3A_10 = vector.load %arg6[%get3A_8, %get3A_9] : memref<1x256xf32, #tpu.memory_space<vmem>>, vector<1x256xf32>
    %get3A_11 = arith.constant 0 : index
    %get3A_12 = arith.constant 0 : index
    %get3A_13 = vector.load %arg7[%get3A_11, %get3A_12] : memref<1x256xf32, #tpu.memory_space<vmem>>, vector<1x256xf32>
    %get3A_14 = arith.constant 0 : index
    %get3A_15 = arith.constant 0 : index
    %get3A_16 = vector.load %arg8[%get3A_14, %get3A_15] : memref<1x256xf32, #tpu.memory_space<vmem>>, vector<1x256xf32>
    %get3A_17 = arith.constant 0 : index
    %get3A_18 = arith.constant 0 : index
    %get3A_19 = vector.load %arg9[%get3A_17, %get3A_18] : memref<16x256xf32, #tpu.memory_space<vmem>>, vector<16x256xf32>
    %get3A_20 = arith.constant 0 : index
    %get3A_21 = arith.constant 0 : index
    %get3A_22 = vector.load %arg10[%get3A_20, %get3A_21] : memref<1x256xf32, #tpu.memory_space<vmem>>, vector<1x256xf32>
    %get3A_23 = arith.constant 0 : index
    %get3A_24 = arith.constant 0 : index
    %get3A_25 = vector.load %arg11[%get3A_23, %get3A_24] : memref<1x256xf32, #tpu.memory_space<vmem>>, vector<1x256xf32>
    %get3A_26 = arith.constant 0 : index
    %get3A_27 = arith.constant 0 : index
    %get3A_28 = vector.load %arg12[%get3A_26, %get3A_27] : memref<1x256xf32, #tpu.memory_space<vmem>>, vector<1x256xf32>
    %get3A_29 = arith.constant 0 : index
    %get3A_30 = arith.constant 0 : index
    %get3A_31 = vector.load %arg13[%get3A_29, %get3A_30] : memref<1x256xf32, #tpu.memory_space<vmem>>, vector<1x256xf32>
    %get3A_32 = arith.constant 0 : index
    %get3A_33 = arith.constant 0 : index
    %get3A_34 = vector.load %arg14[%get3A_32, %get3A_33] : memref<256x256xf32, #tpu.memory_space<vmem>>, vector<256x256xf32>
    %get3A_35 = arith.constant 0 : index
    %get3A_36 = arith.constant 0 : index
    %get3A_37 = vector.load %arg15[%get3A_35, %get3A_36] : memref<256x256xf32, #tpu.memory_space<vmem>>, vector<256x256xf32>
    %get3A_38 = arith.constant 0 : index
    %get3A_39 = arith.constant 0 : index
    %get3A_40 = vector.load %arg16[%get3A_38, %get3A_39] : memref<32x256xf32, #tpu.memory_space<vmem>>, vector<32x256xf32>
    %convert_element_type3A = arith.truncf %get3A_34 : vector<256x256xf32> to vector<256x256xbf16>
    %convert_element_type3A_41 = arith.truncf %get3A_37 : vector<256x256xf32> to vector<256x256xbf16>
    %convert_element_type3A_42 = arith.truncf %get3A_40 : vector<32x256xf32> to vector<32x256xbf16>
    %iota3A = tpu.iota {dimensions = array<i32: 0>} : vector<160x1xi32>
    %lt3A = arith.constant 157 : i32
    %lt3A_43 = vector.broadcast %lt3A : i32 to vector<160x1xi32>
    %lt3A_44 = arith.cmpi slt, %iota3A, %lt3A_43 : vector<160x1xi32>
    %scan3A = arith.constant 0 : i32
    %scan3A_45 = arith.constant 64 : i32
    %scan3A_46 = arith.addi %scan3A, %scan3A_45 : i32
    %scan3A_47 = arith.constant 1 : i32
    scf.for %scan3A_191 = %scan3A to %scan3A_46 step %scan3A_47  : i32 {
      %get3A_192 = arith.index_cast %scan3A_191 : i32 to index
      %get3A_193 = arith.constant 0 : index
      %get3A_194 = arith.constant 0 : index
      %get3A_195 = vector.load %arg0[%get3A_192, %get3A_193, %get3A_194] : memref<64x156x128xf32, #tpu.memory_space<vmem>>, vector<1x156x128xf32>
      %reshape3A = vector.shape_cast %get3A_195 : vector<1x156x128xf32> to vector<156x128xf32>
      %dot_general3A_196 = arith.constant dense<0.000000e+00> : vector<156x512xf32>
      %dot_general3A_197 = tpu.matmul %reshape3A, %get3A_1, %dot_general3A_196 {dimension_numbers = #tpu.dot_dimension_numbers<[1], [0], [0], [1], [0, 0, 1, 1], [], []>, transpose_lhs_hint = false} : vector<156x128xf32>, vector<128x512xf32>, vector<156x512xf32> -> vector<156x512xf32>
      %add3A_198 = vector.broadcast %get3A_4 : vector<1x512xf32> to vector<156x512xf32>
      %add3A_199 = arith.addf %dot_general3A_197, %add3A_198 : vector<156x512xf32>
      %integer_pow3A_200 = arith.mulf %add3A_199, %add3A_199 : vector<156x512xf32>
      %integer_pow3A_201 = arith.mulf %add3A_199, %integer_pow3A_200 : vector<156x512xf32>
      %mul3A_202 = arith.constant 4.471500e-02 : f32
      %mul3A_203 = vector.broadcast %mul3A_202 : f32 to vector<156x512xf32>
      %mul3A_204 = arith.mulf %mul3A_203, %integer_pow3A_201 : vector<156x512xf32>
      %add3A_205 = arith.addf %add3A_199, %mul3A_204 : vector<156x512xf32>
      %mul3A_206 = arith.constant 0.797884583 : f32
      %mul3A_207 = vector.broadcast %mul3A_206 : f32 to vector<156x512xf32>
      %mul3A_208 = arith.mulf %mul3A_207, %add3A_205 : vector<156x512xf32>
      %tanh3A_209 = math.tanh %mul3A_208 : vector<156x512xf32>
      %add3A_210 = arith.constant 1.000000e+00 : f32
      %add3A_211 = vector.broadcast %add3A_210 : f32 to vector<156x512xf32>
      %add3A_212 = arith.addf %add3A_211, %tanh3A_209 : vector<156x512xf32>
      %mul3A_213 = arith.constant 5.000000e-01 : f32
      %mul3A_214 = vector.broadcast %mul3A_213 : f32 to vector<156x512xf32>
      %mul3A_215 = arith.mulf %mul3A_214, %add3A_212 : vector<156x512xf32>
      %mul3A_216 = arith.mulf %add3A_199, %mul3A_215 : vector<156x512xf32>
      %dot_general3A_217 = arith.constant dense<0.000000e+00> : vector<156x256xf32>
      %dot_general3A_218 = tpu.matmul %mul3A_216, %get3A_7, %dot_general3A_217 {dimension_numbers = #tpu.dot_dimension_numbers<[1], [0], [0], [1], [0, 0, 1, 1], [], []>, transpose_lhs_hint = false} : vector<156x512xf32>, vector<512x256xf32>, vector<156x256xf32> -> vector<156x256xf32>
      %add3A_219 = vector.broadcast %get3A_10 : vector<1x256xf32> to vector<156x256xf32>
      %add3A_220 = arith.addf %dot_general3A_218, %add3A_219 : vector<156x256xf32>
      %reduce_sum3A_221 = arith.constant dense<0.000000e+00> : vector<156xf32>
      %reduce_sum3A_222 = vector.multi_reduction <add>, %add3A_220, %reduce_sum3A_221 [1] : vector<156x256xf32> to vector<156xf32>
      %broadcast_in_dim3A_223 = vector.shape_cast %reduce_sum3A_222 : vector<156xf32> to vector<156x1xf32>
      %div3A_224 = arith.constant 2.560000e+02 : f32
      %div3A_225 = vector.broadcast %div3A_224 : f32 to vector<156x1xf32>
      %div3A_226 = arith.divf %broadcast_in_dim3A_223, %div3A_225 : vector<156x1xf32>
      %sub3A_227 = vector.broadcast %div3A_226 : vector<156x1xf32> to vector<156x256xf32>
      %sub3A_228 = arith.subf %add3A_220, %sub3A_227 : vector<156x256xf32>
      %integer_pow3A_229 = arith.mulf %sub3A_228, %sub3A_228 : vector<156x256xf32>
      %reduce_sum3A_230 = arith.constant dense<0.000000e+00> : vector<156xf32>
      %reduce_sum3A_231 = vector.multi_reduction <add>, %integer_pow3A_229, %reduce_sum3A_230 [1] : vector<156x256xf32> to vector<156xf32>
      %broadcast_in_dim3A_232 = vector.shape_cast %reduce_sum3A_231 : vector<156xf32> to vector<156x1xf32>
      %div3A_233 = arith.constant 2.560000e+02 : f32
      %div3A_234 = vector.broadcast %div3A_233 : f32 to vector<156x1xf32>
      %div3A_235 = arith.divf %broadcast_in_dim3A_232, %div3A_234 : vector<156x1xf32>
      %sub3A_236 = vector.broadcast %div3A_226 : vector<156x1xf32> to vector<156x256xf32>
      %sub3A_237 = arith.subf %add3A_220, %sub3A_236 : vector<156x256xf32>
      %mul3A_238 = vector.broadcast %get3A_13 : vector<1x256xf32> to vector<156x256xf32>
      %mul3A_239 = arith.mulf %mul3A_238, %sub3A_237 : vector<156x256xf32>
      %add3A_240 = arith.constant 9.99999974E-6 : f32
      %add3A_241 = vector.broadcast %add3A_240 : f32 to vector<156x1xf32>
      %add3A_242 = arith.addf %div3A_235, %add3A_241 : vector<156x1xf32>
      %sqrt3A_243 = math.sqrt %add3A_242 : vector<156x1xf32>
      %div3A_244 = vector.broadcast %sqrt3A_243 : vector<156x1xf32> to vector<156x256xf32>
      %div3A_245 = arith.divf %mul3A_239, %div3A_244 : vector<156x256xf32>
      %add3A_246 = vector.broadcast %get3A_16 : vector<1x256xf32> to vector<156x256xf32>
      %add3A_247 = arith.addf %div3A_245, %add3A_246 : vector<156x256xf32>
      %get3A_248 = arith.index_cast %scan3A_191 : i32 to index
      %get3A_249 = arith.constant 0 : index
      %get3A_250 = arith.constant 0 : index
      %get3A_251 = vector.load %arg2[%get3A_248, %get3A_249, %get3A_250] : memref<64x160x16xf32, #tpu.memory_space<vmem>>, vector<1x160x16xf32>
      %reshape3A_252 = vector.shape_cast %get3A_251 : vector<1x160x16xf32> to vector<160x16xf32>
      %dot_general3A_253 = arith.constant dense<0.000000e+00> : vector<160x256xf32>
      %dot_general3A_254 = tpu.matmul %reshape3A_252, %get3A_19, %dot_general3A_253 {dimension_numbers = #tpu.dot_dimension_numbers<[1], [0], [0], [1], [0, 0, 1, 1], [], []>, transpose_lhs_hint = false} : vector<160x16xf32>, vector<16x256xf32>, vector<160x256xf32> -> vector<160x256xf32>
      %add3A_255 = vector.broadcast %get3A_22 : vector<1x256xf32> to vector<160x256xf32>
      %add3A_256 = arith.addf %dot_general3A_254, %add3A_255 : vector<160x256xf32>
      %broadcast_in_dim3A_257 = arith.constant 0.000000e+00 : f32
      %broadcast_in_dim3A_258 = vector.broadcast %broadcast_in_dim3A_257 : f32 to vector<3x256xf32>
      %concatenate3A = tpu.concatenate %get3A_25, %add3A_247, %broadcast_in_dim3A_258 in 0 : vector<1x256xf32>, vector<156x256xf32>, vector<3x256xf32> -> vector<160x256xf32>
      %add3A_259 = arith.addf %concatenate3A, %add3A_256 : vector<160x256xf32>
      %jit3A = arith.constant 0.000000e+00 : f32
      %broadcast_in_dim3A_260 = vector.shape_cast %lt3A_44 : vector<160x1xi1> to vector<160x1xi1>
      %broadcast_in_dim3A_261 = vector.broadcast %broadcast_in_dim3A_260 : vector<160x1xi1> to vector<160x256xi1>
      %broadcast_in_dim3A_262 = vector.broadcast %jit3A : f32 to vector<160x256xf32>
      %select_n3A = arith.select %broadcast_in_dim3A_261, %add3A_259, %broadcast_in_dim3A_262 : vector<160x256xi1>, vector<160x256xf32>
      %reshape3A_263 = vector.shape_cast %select_n3A : vector<160x256xf32> to vector<1x160x256xf32>
      %swap3A_264 = arith.index_cast %scan3A_191 : i32 to index
      %swap3A_265 = arith.constant 0 : index
      %swap3A_266 = arith.constant 0 : index
      %swap3A_267 = vector.load %arg29[%swap3A_264, %swap3A_265, %swap3A_266] : memref<64x160x256xf32, #tpu.memory_space<vmem>>, vector<1x160x256xf32>
      tpu.vector_store %arg29[%swap3A_264, %swap3A_265, %swap3A_266], %reshape3A_263 {strides = array<i32>} : memref<64x160x256xf32, #tpu.memory_space<vmem>>, vector<1x160x256xf32>,
    }
    %scan3A_48 = arith.constant 64 : i32
    %get3A_49 = arith.constant 0 : index
    %get3A_50 = arith.constant 0 : index
    %get3A_51 = vector.load %arg17[%get3A_49, %get3A_50] : memref<1x1xf32, #tpu.memory_space<vmem>>, vector<1x1xf32>
    %get3A_52 = vector.extract %get3A_51[0, 0] : f32 from vector<1x1xf32>
    %logistic3A = arith.negf %get3A_52 : f32
    %logistic3A_53 = math.exp %logistic3A : f32
    %logistic3A_54 = arith.constant 1.000000e+00 : f32
    %logistic3A_55 = arith.addf %logistic3A_54, %logistic3A_53 : f32
    %logistic3A_56 = arith.divf %logistic3A_54, %logistic3A_55 : f32
    %mul3A = arith.constant 2.500000e-01 : f32
    %mul3A_57 = arith.mulf %mul3A, %logistic3A_56 : f32
    %scan3A_58 = arith.constant 6.250000e-02 : f32
    %scan3A_59 = arith.constant 0 : i32
    %scan3A_60 = arith.constant 8 : i32
    %scan3A_61 = arith.addi %scan3A_59, %scan3A_60 : i32
    %scan3A_62 = arith.constant 1 : i32
    scf.for %scan3A_191 = %scan3A_59 to %scan3A_61 step %scan3A_62  : i32 {
      %scan3A_192 = arith.constant 0.000000e+00 : f32
      %scan3A_193 = arith.constant 0 : i32
      %scan3A_194 = arith.constant 64 : i32
      %scan3A_195 = arith.addi %scan3A_193, %scan3A_194 : i32
      %scan3A_196 = arith.constant 1 : i32
      %scan3A_197 = scf.for %scan3A_211 = %scan3A_193 to %scan3A_195 step %scan3A_196 iter_args(%scan3A_212 = %scan3A_192) -> (f32)  : i32 {
        %get3A_213 = arith.index_cast %scan3A_211 : i32 to index
        %get3A_214 = arith.constant 0 : index
        %get3A_215 = arith.constant 0 : index
        %get3A_216 = vector.load %arg29[%get3A_213, %get3A_214, %get3A_215] : memref<64x160x256xf32, #tpu.memory_space<vmem>>, vector<1x160x256xf32>
        %reshape3A = vector.shape_cast %get3A_216 : vector<1x160x256xf32> to vector<160x256xf32>
        %reduce_sum3A_217 = arith.constant dense<0.000000e+00> : vector<160xf32>
        %reduce_sum3A_218 = vector.multi_reduction <add>, %reshape3A, %reduce_sum3A_217 [1] : vector<160x256xf32> to vector<160xf32>
        %broadcast_in_dim3A_219 = vector.shape_cast %reduce_sum3A_218 : vector<160xf32> to vector<160x1xf32>
        %div3A_220 = arith.constant 2.560000e+02 : f32
        %div3A_221 = vector.broadcast %div3A_220 : f32 to vector<160x1xf32>
        %div3A_222 = arith.divf %broadcast_in_dim3A_219, %div3A_221 : vector<160x1xf32>
        %sub3A_223 = vector.broadcast %div3A_222 : vector<160x1xf32> to vector<160x256xf32>
        %sub3A_224 = arith.subf %reshape3A, %sub3A_223 : vector<160x256xf32>
        %integer_pow3A_225 = arith.mulf %sub3A_224, %sub3A_224 : vector<160x256xf32>
        %reduce_sum3A_226 = arith.constant dense<0.000000e+00> : vector<160xf32>
        %reduce_sum3A_227 = vector.multi_reduction <add>, %integer_pow3A_225, %reduce_sum3A_226 [1] : vector<160x256xf32> to vector<160xf32>
        %broadcast_in_dim3A_228 = vector.shape_cast %reduce_sum3A_227 : vector<160xf32> to vector<160x1xf32>
        %div3A_229 = arith.constant 2.560000e+02 : f32
        %div3A_230 = vector.broadcast %div3A_229 : f32 to vector<160x1xf32>
        %div3A_231 = arith.divf %broadcast_in_dim3A_228, %div3A_230 : vector<160x1xf32>
        %add3A_232 = arith.constant 9.99999974E-6 : f32
        %add3A_233 = vector.broadcast %add3A_232 : f32 to vector<160x1xf32>
        %add3A_234 = arith.addf %div3A_231, %add3A_233 : vector<160x1xf32>
        %sqrt3A_235 = math.sqrt %add3A_234 : vector<160x1xf32>
        %sub3A_236 = vector.broadcast %div3A_222 : vector<160x1xf32> to vector<160x256xf32>
        %sub3A_237 = arith.subf %reshape3A, %sub3A_236 : vector<160x256xf32>
        %div3A_238 = vector.broadcast %sqrt3A_235 : vector<160x1xf32> to vector<160x256xf32>
        %div3A_239 = arith.divf %sub3A_237, %div3A_238 : vector<160x256xf32>
        %mul3A_240 = vector.broadcast %get3A_28 : vector<1x256xf32> to vector<160x256xf32>
        %mul3A_241 = arith.mulf %mul3A_240, %div3A_239 : vector<160x256xf32>
        %add3A_242 = vector.broadcast %get3A_31 : vector<1x256xf32> to vector<160x256xf32>
        %add3A_243 = arith.addf %mul3A_241, %add3A_242 : vector<160x256xf32>
        %convert_element_type3A_244 = arith.truncf %add3A_243 : vector<160x256xf32> to vector<160x256xbf16>
        %dot_general3A_245 = arith.constant dense<0.000000e+00> : vector<160x256xf32>
        %dot_general3A_246 = tpu.matmul %convert_element_type3A_244, %convert_element_type3A, %dot_general3A_245 {dimension_numbers = #tpu.dot_dimension_numbers<[1], [0], [0], [1], [0, 0, 1, 1], [], []>, transpose_lhs_hint = false} : vector<160x256xbf16>, vector<256x256xbf16>, vector<160x256xf32> -> vector<160x256xf32>
        %convert_element_type3A_247 = arith.truncf %dot_general3A_246 : vector<160x256xf32> to vector<160x256xbf16>
        %dot_general3A_248 = arith.constant dense<0.000000e+00> : vector<160x256xf32>
        %dot_general3A_249 = tpu.matmul %convert_element_type3A_244, %convert_element_type3A_41, %dot_general3A_248 {dimension_numbers = #tpu.dot_dimension_numbers<[1], [0], [0], [1], [0, 0, 1, 1], [], []>, transpose_lhs_hint = false} : vector<160x256xbf16>, vector<256x256xbf16>, vector<160x256xf32> -> vector<160x256xf32>
        %convert_element_type3A_250 = arith.truncf %dot_general3A_249 : vector<160x256xf32> to vector<160x256xbf16>
        %dot_general3A_251 = arith.constant dense<0.000000e+00> : vector<160x160xf32>
        %dot_general3A_252 = tpu.matmul %convert_element_type3A_247, %convert_element_type3A_250, %dot_general3A_251 {dimension_numbers = #tpu.dot_dimension_numbers<[1], [1], [0], [0], [0, 0, 1, 0], [], []>, transpose_lhs_hint = false} : vector<160x256xbf16>, vector<160x256xbf16>, vector<160x160xf32> -> vector<160x160xf32>
        %mul3A_253 = vector.broadcast %scan3A_58 : f32 to vector<160x160xf32>
        %mul3A_254 = arith.mulf %mul3A_253, %dot_general3A_252 : vector<160x160xf32>
        %get3A_255 = arith.index_cast %scan3A_211 : i32 to index
        %get3A_256 = arith.constant 0 : index
        %get3A_257 = arith.constant 0 : index
        %get3A_258 = vector.load %arg1[%get3A_255, %get3A_256, %get3A_257] : memref<64x160x160xf32, #tpu.memory_space<vmem>>, vector<1x160x160xf32>
        %reshape3A_259 = vector.shape_cast %get3A_258 : vector<1x160x160xf32> to vector<160x160xf32>
        %gt3A = arith.constant 5.000000e-01 : f32
        %gt3A_260 = vector.broadcast %gt3A : f32 to vector<160x160xf32>
        %gt3A_261 = arith.cmpf ogt, %reshape3A_259, %gt3A_260 : vector<160x160xf32>
        %jit3A = arith.constant -1.000000e+30 : f32
        %broadcast_in_dim3A_262 = vector.broadcast %jit3A : f32 to vector<160x160xf32>
        %select_n3A = arith.select %gt3A_261, %mul3A_254, %broadcast_in_dim3A_262 : vector<160x160xi1>, vector<160x160xf32>
        %reduce_max3A = arith.constant dense<0xFF800000> : vector<160xf32>
        %reduce_max3A_263 = vector.multi_reduction <maximumf>, %select_n3A, %reduce_max3A [1] : vector<160x160xf32> to vector<160xf32>
        %broadcast_in_dim3A_264 = vector.shape_cast %reduce_max3A_263 : vector<160xf32> to vector<160x1xf32>
        %sub3A_265 = vector.broadcast %broadcast_in_dim3A_264 : vector<160x1xf32> to vector<160x160xf32>
        %sub3A_266 = arith.subf %select_n3A, %sub3A_265 : vector<160x160xf32>
        %exp3A = math.exp %sub3A_266 : vector<160x160xf32>
        %reduce_sum3A_267 = arith.constant dense<0.000000e+00> : vector<160xf32>
        %reduce_sum3A_268 = vector.multi_reduction <add>, %exp3A, %reduce_sum3A_267 [1] : vector<160x160xf32> to vector<160xf32>
        %broadcast_in_dim3A_269 = vector.shape_cast %reduce_sum3A_268 : vector<160xf32> to vector<160x1xf32>
        %div3A_270 = vector.broadcast %broadcast_in_dim3A_269 : vector<160x1xf32> to vector<160x160xf32>
        %div3A_271 = arith.divf %exp3A, %div3A_270 : vector<160x160xf32>
        %jit3A_272 = arith.constant 0.000000e+00 : f32
        %broadcast_in_dim3A_273 = vector.shape_cast %lt3A_44 : vector<160x1xi1> to vector<160x1xi1>
        %broadcast_in_dim3A_274 = vector.broadcast %broadcast_in_dim3A_273 : vector<160x1xi1> to vector<160x160xi1>
        %broadcast_in_dim3A_275 = vector.broadcast %jit3A_272 : f32 to vector<160x160xf32>
        %select_n3A_276 = arith.select %broadcast_in_dim3A_274, %div3A_271, %broadcast_in_dim3A_275 : vector<160x160xi1>, vector<160x160xf32>
        %convert_element_type3A_277 = arith.truncf %select_n3A_276 : vector<160x160xf32> to vector<160x160xbf16>
        %dot_general3A_278 = arith.constant dense<0.000000e+00> : vector<160x256xf32>
        %dot_general3A_279 = tpu.matmul %convert_element_type3A_277, %convert_element_type3A_250, %dot_general3A_278 {dimension_numbers = #tpu.dot_dimension_numbers<[1], [0], [0], [1], [0, 0, 1, 1], [], []>, transpose_lhs_hint = false} : vector<160x160xbf16>, vector<160x256xbf16>, vector<160x256xf32> -> vector<160x256xf32>
        %neg3A = arith.constant 0.000000e+00 : f32
        %neg3A_280 = vector.broadcast %neg3A : f32 to vector<160x256xf32>
        %neg3A_281 = arith.subf %neg3A_280, %dot_general3A_279 : vector<160x256xf32>
        %dot_general3A_282 = arith.constant dense<0.000000e+00> : vector<160x256xf32>
        %dot_general3A_283 = tpu.matmul %convert_element_type3A_277, %convert_element_type3A_247, %dot_general3A_282 {dimension_numbers = #tpu.dot_dimension_numbers<[0], [0], [1], [1], [0, 1, 1, 1], [], []>, transpose_lhs_hint = false} : vector<160x160xbf16>, vector<160x256xbf16>, vector<160x256xf32> -> vector<160x256xf32>
        %neg3A_284 = arith.constant 0.000000e+00 : f32
        %neg3A_285 = vector.broadcast %neg3A_284 : f32 to vector<160x256xf32>
        %neg3A_286 = arith.subf %neg3A_285, %dot_general3A_283 : vector<160x256xf32>
        %dot_general3A_287 = arith.constant dense<0.000000e+00> : vector<160x32xf32>
        %dot_general3A_288 = tpu.matmul %convert_element_type3A_244, %convert_element_type3A_42, %dot_general3A_287 {dimension_numbers = #tpu.dot_dimension_numbers<[1], [1], [0], [0], [0, 0, 1, 0], [], []>, transpose_lhs_hint = false} : vector<160x256xbf16>, vector<32x256xbf16>, vector<160x32xf32> -> vector<160x32xf32>
        %max3A = arith.constant 0.000000e+00 : f32
        %max3A_289 = vector.broadcast %max3A : f32 to vector<160x32xf32>
        %max3A_290 = arith.maximumf %dot_general3A_288, %max3A_289 : vector<160x32xf32>
        %convert_element_type3A_291 = arith.truncf %neg3A_281 : vector<160x256xf32> to vector<160x256xbf16>
        %dot_general3A_292 = arith.constant dense<0.000000e+00> : vector<160x256xf32>
        %dot_general3A_293 = tpu.matmul %convert_element_type3A_291, %convert_element_type3A, %dot_general3A_292 {dimension_numbers = #tpu.dot_dimension_numbers<[1], [1], [0], [0], [0, 0, 1, 0], [], []>, transpose_lhs_hint = false} : vector<160x256xbf16>, vector<256x256xbf16>, vector<160x256xf32> -> vector<160x256xf32>
        %convert_element_type3A_294 = arith.truncf %neg3A_286 : vector<160x256xf32> to vector<160x256xbf16>
        %dot_general3A_295 = arith.constant dense<0.000000e+00> : vector<160x256xf32>
        %dot_general3A_296 = tpu.matmul %convert_element_type3A_294, %convert_element_type3A_41, %dot_general3A_295 {dimension_numbers = #tpu.dot_dimension_numbers<[1], [1], [0], [0], [0, 0, 1, 0], [], []>, transpose_lhs_hint = false} : vector<160x256xbf16>, vector<256x256xbf16>, vector<160x256xf32> -> vector<160x256xf32>
        %add3A_297 = arith.addf %dot_general3A_293, %dot_general3A_296 : vector<160x256xf32>
        %convert_element_type3A_298 = arith.truncf %max3A_290 : vector<160x32xf32> to vector<160x32xbf16>
        %dot_general3A_299 = arith.constant dense<0.000000e+00> : vector<160x256xf32>
        %dot_general3A_300 = tpu.matmul %convert_element_type3A_298, %convert_element_type3A_42, %dot_general3A_299 {dimension_numbers = #tpu.dot_dimension_numbers<[1], [0], [0], [1], [0, 0, 1, 1], [], []>, transpose_lhs_hint = false} : vector<160x32xbf16>, vector<32x256xbf16>, vector<160x256xf32> -> vector<160x256xf32>
        %sub3A_301 = arith.subf %add3A_297, %dot_general3A_300 : vector<160x256xf32>
        %mul3A_302 = vector.broadcast %get3A_28 : vector<1x256xf32> to vector<160x256xf32>
        %mul3A_303 = arith.mulf %sub3A_301, %mul3A_302 : vector<160x256xf32>
        %reduce_sum3A_304 = arith.constant dense<0.000000e+00> : vector<160xf32>
        %reduce_sum3A_305 = vector.multi_reduction <add>, %mul3A_303, %reduce_sum3A_304 [1] : vector<160x256xf32> to vector<160xf32>
        %broadcast_in_dim3A_306 = vector.shape_cast %reduce_sum3A_305 : vector<160xf32> to vector<160x1xf32>
        %div3A_307 = arith.constant 2.560000e+02 : f32
        %div3A_308 = vector.broadcast %div3A_307 : f32 to vector<160x1xf32>
        %div3A_309 = arith.divf %broadcast_in_dim3A_306, %div3A_308 : vector<160x1xf32>
        %sub3A_310 = vector.broadcast %div3A_309 : vector<160x1xf32> to vector<160x256xf32>
        %sub3A_311 = arith.subf %mul3A_303, %sub3A_310 : vector<160x256xf32>
        %mul3A_312 = arith.mulf %mul3A_303, %div3A_239 : vector<160x256xf32>
        %reduce_sum3A_313 = arith.constant dense<0.000000e+00> : vector<160xf32>
        %reduce_sum3A_314 = vector.multi_reduction <add>, %mul3A_312, %reduce_sum3A_313 [1] : vector<160x256xf32> to vector<160xf32>
        %broadcast_in_dim3A_315 = vector.shape_cast %reduce_sum3A_314 : vector<160xf32> to vector<160x1xf32>
        %div3A_316 = arith.constant 2.560000e+02 : f32
        %div3A_317 = vector.broadcast %div3A_316 : f32 to vector<160x1xf32>
        %div3A_318 = arith.divf %broadcast_in_dim3A_315, %div3A_317 : vector<160x1xf32>
        %mul3A_319 = vector.broadcast %div3A_318 : vector<160x1xf32> to vector<160x256xf32>
        %mul3A_320 = arith.mulf %div3A_239, %mul3A_319 : vector<160x256xf32>
        %sub3A_321 = arith.subf %sub3A_311, %mul3A_320 : vector<160x256xf32>
        %div3A_322 = vector.broadcast %sqrt3A_235 : vector<160x1xf32> to vector<160x256xf32>
        %div3A_323 = arith.divf %sub3A_321, %div3A_322 : vector<160x256xf32>
        %jit3A_324 = arith.constant 0.000000e+00 : f32
        %broadcast_in_dim3A_325 = vector.shape_cast %lt3A_44 : vector<160x1xi1> to vector<160x1xi1>
        %broadcast_in_dim3A_326 = vector.broadcast %broadcast_in_dim3A_325 : vector<160x1xi1> to vector<160x256xi1>
        %broadcast_in_dim3A_327 = vector.broadcast %jit3A_324 : f32 to vector<160x256xf32>
        %select_n3A_328 = arith.select %broadcast_in_dim3A_326, %div3A_323, %broadcast_in_dim3A_327 : vector<160x256xi1>, vector<160x256xf32>
        %reshape3A_329 = vector.shape_cast %select_n3A_328 : vector<160x256xf32> to vector<1x160x256xf32>
        %swap3A_330 = arith.index_cast %scan3A_211 : i32 to index
        %swap3A_331 = arith.constant 0 : index
        %swap3A_332 = arith.constant 0 : index
        %swap3A_333 = vector.load %arg30[%swap3A_330, %swap3A_331, %swap3A_332] : memref<64x160x256xf32, #tpu.memory_space<vmem>>, vector<1x160x256xf32>
        tpu.vector_store %arg30[%swap3A_330, %swap3A_331, %swap3A_332], %reshape3A_329 {strides = array<i32>} : memref<64x160x256xf32, #tpu.memory_space<vmem>>, vector<1x160x256xf32>,
        %mul3A_334 = arith.mulf %select_n3A_328, %select_n3A_328 : vector<160x256xf32>
        %reduce_sum3A_335 = vector.shape_cast %mul3A_334 : vector<160x256xf32> to vector<1x160x256xf32>
        %reduce_sum3A_336 = arith.constant dense<0.000000e+00> : vector<1xf32>
        %reduce_sum3A_337 = vector.multi_reduction <add>, %reduce_sum3A_335, %reduce_sum3A_336 [1, 2] : vector<1x160x256xf32> to vector<1xf32>
        %reduce_sum3A_338 = vector.shape_cast %reduce_sum3A_337 : vector<1xf32> to vector<1x1x1xf32>
        %reduce_sum3A_339 = vector.extract %reduce_sum3A_338[0, 0, 0] : f32 from vector<1x1x1xf32>
        %add3A_340 = arith.addf %scan3A_212, %reduce_sum3A_339 : f32
        scf.yield %add3A_340 : f32
      }
      %scan3A_198 = arith.constant 64 : i32
      %add3A_199 = arith.constant 9.99999996E-13 : f32
      %add3A_200 = arith.addf %scan3A_197, %add3A_199 : f32
      %sqrt3A_201 = math.sqrt %add3A_200 : f32
      %div3A_202 = arith.constant 1.000000e+00 : f32
      %div3A_203 = arith.divf %div3A_202, %sqrt3A_201 : f32
      %min3A = arith.constant 1.000000e+00 : f32
      %min3A_204 = arith.minimumf %min3A, %div3A_203 : f32
      %mul3A_205 = arith.mulf %mul3A_57, %min3A_204 : f32
      %scan3A_206 = arith.constant 0 : i32
      %scan3A_207 = arith.constant 64 : i32
      %scan3A_208 = arith.addi %scan3A_206, %scan3A_207 : i32
      %scan3A_209 = arith.constant 1 : i32
      scf.for %scan3A_211 = %scan3A_206 to %scan3A_208 step %scan3A_209  : i32 {
        %get3A_212 = arith.index_cast %scan3A_211 : i32 to index
        %get3A_213 = arith.constant 0 : index
        %get3A_214 = arith.constant 0 : index
        %get3A_215 = vector.load %arg29[%get3A_212, %get3A_213, %get3A_214] : memref<64x160x256xf32, #tpu.memory_space<vmem>>, vector<1x160x256xf32>
        %get3A_216 = arith.index_cast %scan3A_211 : i32 to index
        %get3A_217 = arith.constant 0 : index
        %get3A_218 = arith.constant 0 : index
        %get3A_219 = vector.load %arg30[%get3A_216, %get3A_217, %get3A_218] : memref<64x160x256xf32, #tpu.memory_space<vmem>>, vector<1x160x256xf32>
        %mul3A_220 = vector.broadcast %mul3A_205 : f32 to vector<1x160x256xf32>
        %mul3A_221 = arith.mulf %mul3A_220, %get3A_219 : vector<1x160x256xf32>
        %sub3A_222 = arith.subf %get3A_215, %mul3A_221 : vector<1x160x256xf32>
        %reshape3A = vector.shape_cast %sub3A_222 : vector<1x160x256xf32> to vector<160x256xf32>
        %mul3A_223 = arith.mulf %reshape3A, %reshape3A : vector<160x256xf32>
        %reduce_sum3A_224 = arith.constant dense<0.000000e+00> : vector<160xf32>
        %reduce_sum3A_225 = vector.multi_reduction <add>, %mul3A_223, %reduce_sum3A_224 [1] : vector<160x256xf32> to vector<160xf32>
        %broadcast_in_dim3A_226 = vector.shape_cast %reduce_sum3A_225 : vector<160xf32> to vector<160x1xf32>
        %add3A_227 = arith.constant 9.99999996E-13 : f32
        %add3A_228 = vector.broadcast %add3A_227 : f32 to vector<160x1xf32>
        %add3A_229 = arith.addf %broadcast_in_dim3A_226, %add3A_228 : vector<160x1xf32>
        %sqrt3A_230 = math.sqrt %add3A_229 : vector<160x1xf32>
        %div3A_231 = arith.constant 1.000000e+01 : f32
        %div3A_232 = vector.broadcast %div3A_231 : f32 to vector<160x1xf32>
        %div3A_233 = arith.divf %div3A_232, %sqrt3A_230 : vector<160x1xf32>
        %min3A_234 = arith.constant 1.000000e+00 : f32
        %min3A_235 = vector.broadcast %min3A_234 : f32 to vector<160x1xf32>
        %min3A_236 = arith.minimumf %min3A_235, %div3A_233 : vector<160x1xf32>
        %mul3A_237 = vector.broadcast %min3A_236 : vector<160x1xf32> to vector<160x256xf32>
        %mul3A_238 = arith.mulf %reshape3A, %mul3A_237 : vector<160x256xf32>
        %reshape3A_239 = vector.shape_cast %mul3A_238 : vector<160x256xf32> to vector<1x160x256xf32>
        %swap3A_240 = arith.index_cast %scan3A_211 : i32 to index
        %swap3A_241 = arith.constant 0 : index
        %swap3A_242 = arith.constant 0 : index
        %swap3A_243 = vector.load %arg29[%swap3A_240, %swap3A_241, %swap3A_242] : memref<64x160x256xf32, #tpu.memory_space<vmem>>, vector<1x160x256xf32>
        tpu.vector_store %arg29[%swap3A_240, %swap3A_241, %swap3A_242], %reshape3A_239 {strides = array<i32>} : memref<64x160x256xf32, #tpu.memory_space<vmem>>, vector<1x160x256xf32>,
      }
      %scan3A_210 = arith.constant 64 : i32
    }
    %get3A_63 = arith.constant 0 : index
    %get3A_64 = arith.constant 0 : index
    %get3A_65 = arith.constant 0 : index
    %get3A_66 = vector.load %arg29[%get3A_63, %get3A_64, %get3A_65] : memref<64x160x256xf32, #tpu.memory_space<vmem>>, vector<64x1x256xf32>
    %get3A_67 = vector.shape_cast %get3A_66 : vector<64x1x256xf32> to vector<64x256xf32>
    %get3A_68 = arith.constant 0 : index
    %get3A_69 = arith.constant 0 : index
    %get3A_70 = vector.load %arg18[%get3A_68, %get3A_69] : memref<256x512xf32, #tpu.memory_space<vmem>>, vector<256x512xf32>
    %dot_general3A = arith.constant dense<0.000000e+00> : vector<64x512xf32>
    %dot_general3A_71 = tpu.matmul %get3A_67, %get3A_70, %dot_general3A {dimension_numbers = #tpu.dot_dimension_numbers<[1], [0], [0], [1], [0, 0, 1, 1], [], []>, transpose_lhs_hint = false} : vector<64x256xf32>, vector<256x512xf32>, vector<64x512xf32> -> vector<64x512xf32>
    %get3A_72 = arith.constant 0 : index
    %get3A_73 = arith.constant 0 : index
    %get3A_74 = vector.load %arg19[%get3A_72, %get3A_73] : memref<1x512xf32, #tpu.memory_space<vmem>>, vector<1x512xf32>
    %add3A = vector.broadcast %get3A_74 : vector<1x512xf32> to vector<64x512xf32>
    %add3A_75 = arith.addf %dot_general3A_71, %add3A : vector<64x512xf32>
    %integer_pow3A = arith.mulf %add3A_75, %add3A_75 : vector<64x512xf32>
    %integer_pow3A_76 = arith.mulf %add3A_75, %integer_pow3A : vector<64x512xf32>
    %mul3A_77 = arith.constant 4.471500e-02 : f32
    %mul3A_78 = vector.broadcast %mul3A_77 : f32 to vector<64x512xf32>
    %mul3A_79 = arith.mulf %mul3A_78, %integer_pow3A_76 : vector<64x512xf32>
    %add3A_80 = arith.addf %add3A_75, %mul3A_79 : vector<64x512xf32>
    %mul3A_81 = arith.constant 0.797884583 : f32
    %mul3A_82 = vector.broadcast %mul3A_81 : f32 to vector<64x512xf32>
    %mul3A_83 = arith.mulf %mul3A_82, %add3A_80 : vector<64x512xf32>
    %tanh3A = math.tanh %mul3A_83 : vector<64x512xf32>
    %add3A_84 = arith.constant 1.000000e+00 : f32
    %add3A_85 = vector.broadcast %add3A_84 : f32 to vector<64x512xf32>
    %add3A_86 = arith.addf %add3A_85, %tanh3A : vector<64x512xf32>
    %mul3A_87 = arith.constant 5.000000e-01 : f32
    %mul3A_88 = vector.broadcast %mul3A_87 : f32 to vector<64x512xf32>
    %mul3A_89 = arith.mulf %mul3A_88, %add3A_86 : vector<64x512xf32>
    %mul3A_90 = arith.mulf %add3A_75, %mul3A_89 : vector<64x512xf32>
    %get3A_91 = arith.constant 0 : index
    %get3A_92 = arith.constant 0 : index
    %get3A_93 = vector.load %arg20[%get3A_91, %get3A_92] : memref<1x512xf32, #tpu.memory_space<vmem>>, vector<1x512xf32>
    %get3A_94 = arith.constant 0 : index
    %get3A_95 = arith.constant 0 : index
    %get3A_96 = vector.load %arg21[%get3A_94, %get3A_95] : memref<1x512xf32, #tpu.memory_space<vmem>>, vector<1x512xf32>
    %reduce_sum3A = arith.constant dense<0.000000e+00> : vector<64xf32>
    %reduce_sum3A_97 = vector.multi_reduction <add>, %mul3A_90, %reduce_sum3A [1] : vector<64x512xf32> to vector<64xf32>
    %broadcast_in_dim3A = vector.shape_cast %reduce_sum3A_97 : vector<64xf32> to vector<64x1xf32>
    %div3A = arith.constant 5.120000e+02 : f32
    %div3A_98 = vector.broadcast %div3A : f32 to vector<64x1xf32>
    %div3A_99 = arith.divf %broadcast_in_dim3A, %div3A_98 : vector<64x1xf32>
    %sub3A = vector.broadcast %div3A_99 : vector<64x1xf32> to vector<64x512xf32>
    %sub3A_100 = arith.subf %mul3A_90, %sub3A : vector<64x512xf32>
    %integer_pow3A_101 = arith.mulf %sub3A_100, %sub3A_100 : vector<64x512xf32>
    %reduce_sum3A_102 = arith.constant dense<0.000000e+00> : vector<64xf32>
    %reduce_sum3A_103 = vector.multi_reduction <add>, %integer_pow3A_101, %reduce_sum3A_102 [1] : vector<64x512xf32> to vector<64xf32>
    %broadcast_in_dim3A_104 = vector.shape_cast %reduce_sum3A_103 : vector<64xf32> to vector<64x1xf32>
    %div3A_105 = arith.constant 5.120000e+02 : f32
    %div3A_106 = vector.broadcast %div3A_105 : f32 to vector<64x1xf32>
    %div3A_107 = arith.divf %broadcast_in_dim3A_104, %div3A_106 : vector<64x1xf32>
    %sub3A_108 = vector.broadcast %div3A_99 : vector<64x1xf32> to vector<64x512xf32>
    %sub3A_109 = arith.subf %mul3A_90, %sub3A_108 : vector<64x512xf32>
    %mul3A_110 = vector.broadcast %get3A_93 : vector<1x512xf32> to vector<64x512xf32>
    %mul3A_111 = arith.mulf %mul3A_110, %sub3A_109 : vector<64x512xf32>
    %add3A_112 = arith.constant 9.99999974E-6 : f32
    %add3A_113 = vector.broadcast %add3A_112 : f32 to vector<64x1xf32>
    %add3A_114 = arith.addf %div3A_107, %add3A_113 : vector<64x1xf32>
    %sqrt3A = math.sqrt %add3A_114 : vector<64x1xf32>
    %div3A_115 = vector.broadcast %sqrt3A : vector<64x1xf32> to vector<64x512xf32>
    %div3A_116 = arith.divf %mul3A_111, %div3A_115 : vector<64x512xf32>
    %add3A_117 = vector.broadcast %get3A_96 : vector<1x512xf32> to vector<64x512xf32>
    %add3A_118 = arith.addf %div3A_116, %add3A_117 : vector<64x512xf32>
    %get3A_119 = arith.constant 0 : index
    %get3A_120 = arith.constant 0 : index
    %get3A_121 = vector.load %arg22[%get3A_119, %get3A_120] : memref<512x256xf32, #tpu.memory_space<vmem>>, vector<512x256xf32>
    %dot_general3A_122 = arith.constant dense<0.000000e+00> : vector<64x256xf32>
    %dot_general3A_123 = tpu.matmul %add3A_118, %get3A_121, %dot_general3A_122 {dimension_numbers = #tpu.dot_dimension_numbers<[1], [0], [0], [1], [0, 0, 1, 1], [], []>, transpose_lhs_hint = false} : vector<64x512xf32>, vector<512x256xf32>, vector<64x256xf32> -> vector<64x256xf32>
    %get3A_124 = arith.constant 0 : index
    %get3A_125 = arith.constant 0 : index
    %get3A_126 = vector.load %arg23[%get3A_124, %get3A_125] : memref<1x256xf32, #tpu.memory_space<vmem>>, vector<1x256xf32>
    %add3A_127 = vector.broadcast %get3A_126 : vector<1x256xf32> to vector<64x256xf32>
    %add3A_128 = arith.addf %dot_general3A_123, %add3A_127 : vector<64x256xf32>
    %integer_pow3A_129 = arith.mulf %add3A_128, %add3A_128 : vector<64x256xf32>
    %integer_pow3A_130 = arith.mulf %add3A_128, %integer_pow3A_129 : vector<64x256xf32>
    %mul3A_131 = arith.constant 4.471500e-02 : f32
    %mul3A_132 = vector.broadcast %mul3A_131 : f32 to vector<64x256xf32>
    %mul3A_133 = arith.mulf %mul3A_132, %integer_pow3A_130 : vector<64x256xf32>
    %add3A_134 = arith.addf %add3A_128, %mul3A_133 : vector<64x256xf32>
    %mul3A_135 = arith.constant 0.797884583 : f32
    %mul3A_136 = vector.broadcast %mul3A_135 : f32 to vector<64x256xf32>
    %mul3A_137 = arith.mulf %mul3A_136, %add3A_134 : vector<64x256xf32>
    %tanh3A_138 = math.tanh %mul3A_137 : vector<64x256xf32>
    %add3A_139 = arith.constant 1.000000e+00 : f32
    %add3A_140 = vector.broadcast %add3A_139 : f32 to vector<64x256xf32>
    %add3A_141 = arith.addf %add3A_140, %tanh3A_138 : vector<64x256xf32>
    %mul3A_142 = arith.constant 5.000000e-01 : f32
    %mul3A_143 = vector.broadcast %mul3A_142 : f32 to vector<64x256xf32>
    %mul3A_144 = arith.mulf %mul3A_143, %add3A_141 : vector<64x256xf32>
    %mul3A_145 = arith.mulf %add3A_128, %mul3A_144 : vector<64x256xf32>
    %get3A_146 = arith.constant 0 : index
    %get3A_147 = arith.constant 0 : index
    %get3A_148 = vector.load %arg24[%get3A_146, %get3A_147] : memref<1x256xf32, #tpu.memory_space<vmem>>, vector<1x256xf32>
    %get3A_149 = arith.constant 0 : index
    %get3A_150 = arith.constant 0 : index
    %get3A_151 = vector.load %arg25[%get3A_149, %get3A_150] : memref<1x256xf32, #tpu.memory_space<vmem>>, vector<1x256xf32>
    %reduce_sum3A_152 = arith.constant dense<0.000000e+00> : vector<64xf32>
    %reduce_sum3A_153 = vector.multi_reduction <add>, %mul3A_145, %reduce_sum3A_152 [1] : vector<64x256xf32> to vector<64xf32>
    %broadcast_in_dim3A_154 = vector.shape_cast %reduce_sum3A_153 : vector<64xf32> to vector<64x1xf32>
    %div3A_155 = arith.constant 2.560000e+02 : f32
    %div3A_156 = vector.broadcast %div3A_155 : f32 to vector<64x1xf32>
    %div3A_157 = arith.divf %broadcast_in_dim3A_154, %div3A_156 : vector<64x1xf32>
    %sub3A_158 = vector.broadcast %div3A_157 : vector<64x1xf32> to vector<64x256xf32>
    %sub3A_159 = arith.subf %mul3A_145, %sub3A_158 : vector<64x256xf32>
    %integer_pow3A_160 = arith.mulf %sub3A_159, %sub3A_159 : vector<64x256xf32>
    %reduce_sum3A_161 = arith.constant dense<0.000000e+00> : vector<64xf32>
    %reduce_sum3A_162 = vector.multi_reduction <add>, %integer_pow3A_160, %reduce_sum3A_161 [1] : vector<64x256xf32> to vector<64xf32>
    %broadcast_in_dim3A_163 = vector.shape_cast %reduce_sum3A_162 : vector<64xf32> to vector<64x1xf32>
    %div3A_164 = arith.constant 2.560000e+02 : f32
    %div3A_165 = vector.broadcast %div3A_164 : f32 to vector<64x1xf32>
    %div3A_166 = arith.divf %broadcast_in_dim3A_163, %div3A_165 : vector<64x1xf32>
    %sub3A_167 = vector.broadcast %div3A_157 : vector<64x1xf32> to vector<64x256xf32>
    %sub3A_168 = arith.subf %mul3A_145, %sub3A_167 : vector<64x256xf32>
    %mul3A_169 = vector.broadcast %get3A_148 : vector<1x256xf32> to vector<64x256xf32>
    %mul3A_170 = arith.mulf %mul3A_169, %sub3A_168 : vector<64x256xf32>
    %add3A_171 = arith.constant 9.99999974E-6 : f32
    %add3A_172 = vector.broadcast %add3A_171 : f32 to vector<64x1xf32>
    %add3A_173 = arith.addf %div3A_166, %add3A_172 : vector<64x1xf32>
    %sqrt3A_174 = math.sqrt %add3A_173 : vector<64x1xf32>
    %div3A_175 = vector.broadcast %sqrt3A_174 : vector<64x1xf32> to vector<64x256xf32>
    %div3A_176 = arith.divf %mul3A_170, %div3A_175 : vector<64x256xf32>
    %add3A_177 = vector.broadcast %get3A_151 : vector<1x256xf32> to vector<64x256xf32>
    %add3A_178 = arith.addf %div3A_176, %add3A_177 : vector<64x256xf32>
    %get3A_179 = arith.constant 0 : index
    %get3A_180 = arith.constant 0 : index
    %get3A_181 = vector.load %arg26[%get3A_179, %get3A_180] : memref<256x10xf32, #tpu.memory_space<vmem>>, vector<256x10xf32>
    %dot_general3A_182 = arith.constant dense<0.000000e+00> : vector<64x10xf32>
    %dot_general3A_183 = tpu.matmul %add3A_178, %get3A_181, %dot_general3A_182 {dimension_numbers = #tpu.dot_dimension_numbers<[1], [0], [0], [1], [0, 0, 1, 1], [], []>, transpose_lhs_hint = false} : vector<64x256xf32>, vector<256x10xf32>, vector<64x10xf32> -> vector<64x10xf32>
    %get3A_184 = arith.constant 0 : index
    %get3A_185 = arith.constant 0 : index
    %get3A_186 = vector.load %arg27[%get3A_184, %get3A_185] : memref<1x10xf32, #tpu.memory_space<vmem>>, vector<1x10xf32>
    %add3A_187 = vector.broadcast %get3A_186 : vector<1x10xf32> to vector<64x10xf32>
    %add3A_188 = arith.addf %dot_general3A_183, %add3A_187 : vector<64x10xf32>
    %swap3A = arith.constant 0 : index
    %swap3A_189 = arith.constant 0 : index
    %swap3A_190 = vector.load %arg28[%swap3A, %swap3A_189] : memref<64x10xf32, #tpu.memory_space<vmem>>, vector<64x10xf32>
    tpu.vector_store %arg28[%swap3A, %swap3A_189], %add3A_188 {strides = array<i32>} : memref<64x10xf32, #tpu.memory_space<vmem>>, vector<64x10xf32>,
    return
  }
}

</mosaic_0001>

<sc_bundles>
// kernel: kernel.4.cloned.1.call-start
scs
__scs_entry_jumppad:
0x0: {  	(pc) =	sbr.rel $0x88, $3  }
0x1: {  	(tag) =	ssettag $0x0;
	lr =	simm.s32 $0x1  }
0x2: {  	[smem:$0x3F85] =	sst lr;
	_ =	strace $0xD0000000  }
0x3: {  	_ = 	snop  }
0x4: {  	_ = 	snop  }
0x5: {  	_ = 	snop  }
0x6: {  	_ = 	snop  }
0x7: {  	_ = 	snop  }
__scs_overlays_trampoline_lowered:
0x8: {  	[smem:$0x3F94] =	sst s0  }
0x9: {  	[smem:$0x3F95] =	sst s1  }
0xa: {  	[smem:$0x3F96] =	sst s2  }
0xb: {  	[smem:$0x3F97] =	sst s3  }
0xc: {  	[smem:$0x3F98] =	sst s4  }
0xd: {  	[smem:$0x3F99] =	sst s5  }
0xe: {  	[smem:$0x3F9A] =	sst s6  }
0xf: {  	[smem:$0x3F9B] =	sst s7  }
0x10: {  	[smem:$0x3F9C] =	sst s8  }
0x11: {  	[smem:$0x3F9D] =	sst s9;
	s0 =	simm.s32 @!p0 $0x0  }
0x12: {  	s1 =	sld [smem:$0x3F83];
	s0 =	simm.s32 @p0 $0x1  }
0x13: {  	[smem:$0x3F9E] =	sst s0;
	s0 =	simm.s32 @!p1 $0x0  }
0x14: {  	s2 =	sld [smem:$0x3F82];
	s0 =	simm.s32 @p1 $0x1  }
0x15: {  	[smem:$0x3F9F] =	sst s0;
	s0 =	simm.s32 @!p2 $0x0  }
0x16: {  	s3 =	sld [smem:$0x3FDB];
	s0 =	simm.s32 @p2 $0x1  }
0x17: {  	s4 =	simm.s32 $0x1BF5;
	[smem:$0x3FA1] =	sst s0  }
0x18: {  	s0 =	sld [smem:$0x3F84];
	_ =	swait.ge [sflag:s4], $0x0  }
0x19: {  	s7 =	sld [smem:$0x3F85]  }
0x1a: {  	s8 =	sadd.s32 $0xFFFFE003, lr  }
0x1b: {  	s9 =	sadd.s32 $0xFFFFFEF7, lr;
	s5 =	simm.s32 $0xFFFFFFFF;
	p2 =	slt.u32 s8, $0xFFFFF086  }
0x1c: {  	p1 =	slt.u32 s9, $0xF7A;
	s5 =	simm.s32 @!p2 $0x0  }
0x1d: {  	s5 =	simm.s32 @p1 $0x1;
	p0 =	seq.s32 s7, s2  }
0x1e: {  	s7 =	smul.u32 @!p0 $0xF7A, s2;
	p2 =	seq.s32 @!p0 s5, $0x0  }
0x1f: {  	s9 =	smul.u32 $0xF7A, s1;
	s8 =	simm.s32 @!p0 $0x1BF5;
	p2 =	por !p2, p0  }
0x20: {  	[sflag:s8] =	ssyncset.s32 @!p0 $0xFFFFF086;
	s6 =	sadd.s32 @!p0 s3, s7;
	s7 =	simm.s32 @!p0 $0x108  }
0x21: {  	s3 =	sadd.s32 s3, s9;
	s6 =	sadd.s32 @!p0 $0x88, s6;
	s7 =	simm.s32 @p2 $0x1082  }
0x22: {  	[simem:s7], [sflag:s8] =	dma.local @!p0 [hbm:s6], $0xF7A  }
0x23: {  	s9 =	sor.u32 $0xD0000000, s2;
	s6 =	simm.s32 $0x108;
	_ =	swait.ge @!p0 [sflag:s8], $0x0  }
0x24: {  	s3 =	sadd.s32 $0x88, s3;
	s6 =	simm.s32 @!p1 $0x1082;
	[sflag:s4] =	ssyncset.s32 $0xFFFFF086  }
0x25: {  	[simem:s6], [sflag:s4] =	dma.local [hbm:s3], $0xF7A  }
0x26: {  	[smem:$0x3F85] =	sst s1;
	(tag) =	ssettag s2;
	_ =	strace s9  }
0x27: {  	s1 =	sld [smem:$0x3F95]  }
0x28: {  	s2 =	sld [smem:$0x3F96]  }
0x29: {  	s4 =	sld [smem:$0x3F98]  }
0x2a: {  	p0 =	seq.s32 s5, $0x0;
	s5 =	sld [smem:$0x3F99]  }
0x2b: {  	s6 =	sld [smem:$0x3F9A]  }
0x2c: {  	s7 =	sld [smem:$0x3F9B]  }
0x2d: {  	s3 =	simm.s32 $0x108;
	s8 =	sld [smem:$0x3F9C]  }
0x2e: {  	s3 =	simm.s32 @!p0 $0x1082;
	s9 =	sld [smem:$0x3F9D]  }
0x2f: {  	lr =	sadd.s32 s0, s3;
	s0 =	sld [smem:$0x3F94]  }
0x30: {  	s3 =	sld [smem:$0x3F97]  }
0x31: {  	[smem:$0x3FA0] =	sst s10  }
0x32: {  	s10 =	sld [smem:$0x3F9E];
	_ =	sdelay $0x3  }
0x33: {  	p0 =	seq.s32 s10, $0x1;
	s10 =	sld [smem:$0x3FA0];
	_ =	sdelay $0x3  }
0x34: {  	[smem:$0x3FA0] =	sst s10  }
0x35: {  	s10 =	sld [smem:$0x3F9F];
	_ =	sdelay $0x3  }
0x36: {  	p1 =	seq.s32 s10, $0x1;
	s10 =	sld [smem:$0x3FA0];
	_ =	sdelay $0x3  }
0x37: {  	[smem:$0x3FA0] =	sst s10  }
0x38: {  	s10 =	sld [smem:$0x3FA1]  }
0x39: {  	_ = 	snop;
	(pc) =	sbr.ind lr, $3  }
0x3a: {  	_ = 	snop  }
0x3b: {  	_ = 	snop  }
0x3c: {  	p2 =	seq.s32 s10, $0x1;
	s10 =	sld [smem:$0x3FA0]  }
0x3d: {  	_ =	shalt  }
0x3e: {  	_ =	shalt  }
0x3f: {  	_ =	shalt  }
0x40: {  	_ =	shalt  }
0x41: {  	_ =	shalt  }
0x42: {  	_ =	shalt  }
0x43: {  	_ =	shalt  }
0x44: {  	_ =	shalt  }
0x45: {  	_ =	shalt  }
0x46: {  	_ =	shalt  }
0x47: {  	_ =	shalt  }
0x48: {  	_ =	shalt  }
0x49: {  	_ =	shalt  }
0x4a: {  	_ =	shalt  }
0x4b: {  	_ =	shalt  }
0x4c: {  	_ =	shalt  }
0x4d: {  	_ =	shalt  }
0x4e: {  	_ =	shalt  }
0x4f: {  	_ =	shalt  }
0x50: {  	_ =	shalt  }
0x51: {  	_ =	shalt  }
0x52: {  	_ =	shalt  }
0x53: {  	_ =	shalt  }
0x54: {  	_ =	shalt  }
0x55: {  	_ =	shalt  }
0x56: {  	_ =	shalt  }
0x57: {  	_ =	shalt  }
0x58: {  	_ =	shalt  }
0x59: {  	_ =	shalt  }
0x5a: {  	_ =	shalt  }
0x5b: {  	_ =	shalt  }
0x5c: {  	_ =	shalt  }
0x5d: {  	_ =	shalt  }
0x5e: {  	_ =	shalt  }
0x5f: {  	_ =	shalt  }
0x60: {  	_ =	shalt  }
0x61: {  	_ =	shalt  }
0x62: {  	_ =	shalt  }
0x63: {  	_ =	shalt  }
0x64: {  	_ =	shalt  }
0x65: {  	_ =	shalt  }
0x66: {  	_ =	shalt  }
0x67: {  	_ =	shalt  }
0x68: {  	_ =	shalt  }
0x69: {  	_ =	shalt  }
0x6a: {  	_ =	shalt  }
0x6b: {  	_ =	shalt  }
0x6c: {  	_ =	shalt  }
0x6d: {  	_ =	shalt  }
0x6e: {  	_ =	shalt  }
0x6f: {  	_ =	shalt  }
0x70: {  	_ =	shalt  }
0x71: {  	_ =	shalt  }
0x72: {  	_ =	shalt  }
0x73: {  	_ =	shalt  }
0x74: {  	_ =	shalt  }
0x75: {  	_ =	shalt  }
0x76: {  	_ =	shalt  }
0x77: {  	_ =	shalt  }
0x78: {  	_ =	shalt  }
0x79: {  	_ =	shalt  }
0x7a: {  	_ =	shalt  }
0x7b: {  	_ =	shalt  }
0x7c: {  	_ =	shalt  }
0x7d: {  	_ =	shalt  }
0x7e: {  	_ =	shalt  }
0x7f: {  	_ =	shalt  }
0x80: {  	_ =	shalt  }
0x81: {  	_ =	shalt  }
0x82: {  	_ =	shalt  }
0x83: {  	_ =	shalt  }
0x84: {  	_ =	shalt  }
0x85: {  	_ =	shalt  }
0x86: {  	_ =	shalt  }
0x87: {  	_ =	shalt  }
.Lfunc_end0:
.L_simem_size_0:
called_computation_lowered:
.L_overlay_start_0:
0x88: {  	s2 =	sld [smem:$0x3FD9]  }
0x89: {  	s3 =	sld [smem:$0x3FFE];
	_ =	sdelay $0x1  }
0x8a: {  	s1 =	srdreg.scid  }
0x8b: {  	s0 =	sand.u32 $0x1, s1  }
0x8c: {  	s17 =	sshll.u32 s0, $0xA;
	s2 =	sadd.s32 s3, s2  }
0x8d: {  	s2 =	sadd.s32 s2, s17  }
0x8e: {  	[smem:$0x3FAC] =	sst s2  }
0x8f: {  	_ = 	snop  }
0x90: {  	s2 =	sld [smem:$0x3FC8]  }
0x91: {  	s18 =	sld [smem:$0x3FC7];
	(tm) =	ssettm $0x1  }
0x92: {  	s4 =	sld [smem:$0x3FFB];
	_ =	sdelay $0x3  }
0x93: {  	_ =	strace s4  }
0x94: {  	s4 =	sld [smem:$0x3FFC];
	_ =	sdelay $0x3  }
0x95: {  	_ =	strace s4  }
0x96: {  	s4 =	sld [smem:$0x3FFD];
	_ =	sdelay $0x3  }
0x97: {  	_ =	strace s4  }
0x98: {  	_ =	strace $0x8FFFFFFF  }
0x99: {  	s19 =	sld [smem:$0x3FDB];
	_ =	sdelay $0x1  }
0x9a: {  	s5 =	simm.s32 $_scs_section_size  }
0x9b: {  	s6 =	simm.s32 $_size__tile_overlayer_lowered;
	s7 =	simm.s32 $_tile_overlayer_lowered  }
0x9c: {  	s22 =	simm.s32 $0x1BFF;
	s21 =	sshll.u32 s7, $0x1;
	s4 =	sadd.s32 s5, s19  }
0x9d: {  	s8 =	simm.s32 $0x0;
	s20 =	sshll.u32 s6, $0x1;
	s6 =	sadd.s32 s21, s4  }
0x9e: {  	[timem:s8], [sflag:s22] =	dma.local [hbm:s6], s20  }
0x9f: {  	_ =	swait.ge [sflag:s22], s20  }
0xa0: {  	s5 =	ssub.s32 $0x0, s20;
	[sflag:s22] =	ssyncset.done $0x0  }
0xa1: {  	[sflag:s22] =	ssyncadd.s32 s5;
	_ =	sdelay $0x1  }
0xa2: {  	s23 =	simm.s32 $0x1B8B  }
0xa3: {  	_ =	swait.ge [sflag:s23], $0x1  }
0xa4: {  	[sflag:s23] =	ssyncset.done $0x0  }
0xa5: {  	s25 =	simm.s32 $0x1B8E;
	s24 =	sld [smem:$0x3FFE];
	[sflag:s23] =	ssyncadd.s32 $0xFFFFFFFF  }
0xa6: {  	s26 =	simm.s32 $execute0_lowered;
	[smem:$0x3FD2] =	sst s25  }
0xa7: {  	s6 =	sshll.u32 s26, $0x1;
	_ =	strace $0x80000046;
	[dreg:$0x1] =	wrdreg $0xFFFFFFFF  }
0xa8: {  	s28 =	simm.s32 $_size_execute0_lowered;
	s4 =	sadd.s32 s4, s6;
	[dreg:$0x0] =	wrdreg $0x0  }
0xa9: {  	s6 =	sshll.u32 s28, $0x1;
	[dreg:$0x2] =	wrdreg s4  }
0xaa: {  	[dreg:$0x3] =	wrdreg s6  }
0xab: {  	[dreg:$0x4] =	wrdreg $0xC0  }
0xac: {  	_ =	task [dreg:s8], $0x5FFFF  }
0xad: {  	[dreg:$0x1] =	wrdreg $0xFFFFFFFF  }
0xae: {  	[dreg:$0x0] =	wrdreg $0x60  }
0xaf: {  	[dreg:$0x2] =	wrdreg s2  }
0xb0: {  	[dreg:$0x3] =	wrdreg s18  }
0xb1: {  	[dreg:$0x4] =	wrdreg s24  }
0xb2: {  	[dreg:$0x5] =	wrdreg $0x9  }
0xb3: {  	_ =	task.clear_ibuf [dreg:s8], $0x6FFFF;
	_ =	strace $0x90000046  }
0xb4: {  	s29 =	simm.s32 $0x9;
	_ =	strace $0x80000048  }
0xb5: {  	_ =	swait.ge [sflag:s29], $0x1  }
0xb6: {  	[sflag:s29] =	ssyncadd.s32 $0xFFFFFFFF  }
0xb7: {  	_ =	strace $0x90000048  }
0xb8: {  	_ =	sfence  }
0xb9: {  	s30 =	sld [smem:$0x0];
	_ =	sdelay $0x2  }
0xba: {  	s31 =	sshll.u32 s1, $0xD;
	s1 =	sshrl.u32 s1, $0x2  }
0xbb: {  	s3 =	sand.u32 $0x4000, s31;
	s1 =	sadd.s32 s1, s30  }
0xbc: {  	s0 =	sor.u32 s3, s0;
	s1 =	sshll.u32 s1, $0x11  }
0xbd: {  	s0 =	sor.u32 s1, s0  }
0xbe: {  	s0 =	sadd.s32 $0x8F2B, s0  }
0xbf: {  	[sflag:s0] =	ssyncadd.remote.s32 $0x1  }
0xc0: {  	_ =	sfence.sel $0xFFFF  }
0xc1: {  	[dreg:$0x0] =	wrdreg $0xFFFFFFFF;
	(pc) =	sbr.abs _section_cstart, $3  }
0xc2: {  	[dreg:$0x1] =	wrdreg $0xFFFFFFFF  }
0xc3: {  	_ =	task.clear_ibuf [dreg:s8], $0x2FFFF;
	_ =	strace $0x9FFFFFFF  }
0xc4: {  	(tm) =	ssettm $0x7FFFFFFF  }
0xc5: {  	_ =	shalt  }
tec
execute0_lowered:
.L_overlay_start_1:
0x0: {  	(tag) =	ssettag $0x1  }
0x1: {  	s7 =	rddreg [dreg:$0x0]  }
0x2: {  	s8 =	rddreg [dreg:$0x1]  }
0x3: {  	s4 =	rddreg [dreg:$0x2]  }
0x4: {  	s0 =	rddreg [dreg:$0x3];
	s2 =	simm.s32 $0x0  }
0x5: {  	s3 =	srdreg.scid;
	s1 =	stileid.u32;
	s16 =	simm.s32 $0x0  }
0x6: {  	[smem:$0x7FF] =	sst s2;
	s5 =	sand.u32 $0x1, s3;
	s6 =	sshll.u32 s1, $0x1  }
0x7: {  	s3 =	sadd.s32 $0x1C00, s4;
	s10 =	sadd.s32 $0x2A00, s4;
	s12 =	sshrl.u32 s1, $0x1  }
0x8: {  	s9 =	ssub.s32 $0x2, s5;
	s6 =	sor.u32 s5, s6;
	s12 =	smul.u32 $0x32000, s12  }
0x9: {  	_ =	strace $0x80000047;
	s26 =	sshrl.u32 s9, $0x1;
	s5 =	smul.u32 $0x270, s6  }
0xa: {  	s28 =	smul.u32 $0x138, s6;
	s13 =	sshll.u32 s6, $0x8;
	s14 =	sshllo.u32 s6, $0x1  }
0xb: {  	s11 =	ssub.s32 s9, s26;
	s13 =	sand.u32 $0x300, s13;
	s31 =	smul.u32 $0x138, s14  }
0xc: {  	s30 =	sshll.u32 s14, $0x7;
	s14 =	smul.u32 $0x9C, s14;
	s4 =	sadd.s32 s7, s5  }
0xd: {  	s5 =	sadd.s32 s8, s5;
	s15 =	sadd.s32 $0xFFFFFFFF, s28;
	s29 =	sor.u32 s12, s13  }
0xe: {  	s9 =	sand.u32 $0x380, s30;
	s13 =	simm.s32 $0xA00;
	s6 =	sshrl.u32 s29, $0x3  }
0xf: {  	s9 =	sor.u32 s12, s9;
	s7 =	sadd.s32 s7, s31;
	s8 =	sadd.s32 s8, s31  }
0x10: {  	s14 =	sadd.s32 $0xFFFFFFFF, s14;
	s12 =	simm.s32 $0x1;
	v0 =	vmov s15;
	s15 =	simm.s32 $0x400  }
0x11: {  	s6 =	sadd.s32 s10, s6;
	s9 =	sshrl.u32 s9, $0x3;
	v1 =	vmov s14;
	s14 =	simm.s32 $0x80  }
0x12: {  	v2 =	vimm.f32 $1.000000000e+00;
	s9 =	sadd.s32 s10, s9;
	s10 =	smax.u32 s11, $0x1;
	s11 =	simm.s32 $0x1400  }
.LBB2_1:
0x13: {  	[tilespmem:s11], [sflag:$0x1] =	stream.linear.gather [hbm4b:s3+s2], $0x6400, $0x38;
	[tilespmem:$0x7800] =	vst v63  }
0x14: {  	_ =	swait.ge [sflag:s12], $0x6400  }
0x15: {  	[sflag:s12] =	ssyncset.done $0x0  }
0x16: {  	[sflag:s12] =	ssyncadd.s32 $0xFFFF9C00  }
0x17: {  	[tilespmem:s2], [sflag:$0x1] =	stream.linear.gather [hbm4b:s4+s2], $0x9C0, $0x38;
	[tilespmem:$0x7800] =	vst v63  }
0x18: {  	_ =	swait.ge [sflag:s12], $0x9C0  }
0x19: {  	[sflag:s12] =	ssyncset.done $0x0  }
0x1a: {  	[sflag:s12] =	ssyncadd.s32 $0xFFFFF640  }
0x1b: {  	[tilespmem:s13], [sflag:$0x1] =	stream.linear.gather [hbm4b:s5+s2], $0x9C0, $0x38;
	[tilespmem:$0x7800] =	vst v63  }
0x1c: {  	_ =	swait.ge [sflag:s12], $0x9C0  }
0x1d: {  	[sflag:s12] =	ssyncset.done $0x0  }
0x1e: {  	s18 =	simm.s32 $0x0;
	s17 =	simm.s32 $0x40;
	[sflag:s12] =	ssyncadd.s32 $0xFFFFF640  }
.LBB2_2:
0x1f: {  	p0 =	sne.s32 s17, $0x26C0;
	v3 =	vld [tilespmem:s18+$0x0];
	_ =	sdelay $0x1  }
0x20: {  	v4 =	vld [tilespmem:s18+$0xA00];
	_ =	sdelay $0x2  }
0x21: {  	v3 =	vsub.s32 v3, v0  }
0x22: {  	v3 =	vmul.u32 $0xA0, v3  }
0x23: {  	v4 =	vsub.s32 v4, v0  }
0x24: {  	v3 =	vadd.s32 v3, v4  }
.Ltmp0:
0x25: {  	(pc) =	sbr.rel @p0 .LBB2_2-.Ltmp0, $2  }
0x26: {  	_ =	sdelay $0x2  }
0x27: {  	s18 =	sshra.s32 s17, $0x2;
	s17 =	sadd.s32 $0x40, s17;
	[tilespmem:v3+s11+$0x0] =	vst.idx.msk $0xffff, v2  }
0x28: {  	v3 =	vld [tilespmem:s18+$0x0];
	_ =	sdelay $0x1  }
0x29: {  	v4 =	vld [tilespmem:s18+$0xA00];
	_ =	sdelay $0x2  }
0x2a: {  	v3 =	vsub.s32 v3, v0  }
0x2b: {  	v3 =	vmul.u32 $0xA0, v3  }
0x2c: {  	v4 =	vsub.s32 v4, v0  }
0x2d: {  	v3 =	vadd.s32 v3, v4;
	_ =	sdelay $0x4  }
0x2e: {  	[tilespmem:v3+s11+$0x0] =	vst.idx.msk $0xffff, v2  }
0x2f: {  	[hbm4b:s6+s14] =	stream.strided.scatter [tilespmem:s11], [sflag:$0x1], $0x6400, s15, s14, $0x38;
	[tilespmem:$0x7800] =	vst v63  }
0x30: {  	_ =	swait.ge [sflag:s12], $0x6400  }
0x31: {  	[sflag:s12] =	ssyncset.done $0x0  }
0x32: {  	s17 =	simm.s32 $0x0;
	[sflag:s12] =	ssyncadd.s32 $0xFFFF9C00  }
0x33: {  	[tilespmem:s11], [sflag:$0x1] =	stream.linear.gather [hbm4b:s3+s17], $0x6400, $0x38;
	[tilespmem:$0x7800] =	vst v63  }
0x34: {  	_ =	swait.ge [sflag:s12], $0x6400  }
0x35: {  	[sflag:s12] =	ssyncset.done $0x0  }
0x36: {  	[sflag:s12] =	ssyncadd.s32 $0xFFFF9C00  }
0x37: {  	[tilespmem:s17], [sflag:$0x1] =	stream.linear.gather [hbm4b:s7+s17], $0x9C0, $0x38;
	[tilespmem:$0x7800] =	vst v63  }
0x38: {  	_ =	swait.ge [sflag:s12], $0x9C0  }
0x39: {  	[sflag:s12] =	ssyncset.done $0x0  }
0x3a: {  	[sflag:s12] =	ssyncadd.s32 $0xFFFFF640  }
0x3b: {  	[tilespmem:s13], [sflag:$0x1] =	stream.linear.gather [hbm4b:s8+s17], $0x9C0, $0x38;
	[tilespmem:$0x7800] =	vst v63  }
0x3c: {  	_ =	swait.ge [sflag:s12], $0x9C0  }
0x3d: {  	[sflag:s12] =	ssyncset.done $0x0  }
0x3e: {  	s18 =	simm.s32 $0x0;
	s17 =	simm.s32 $0x40;
	[sflag:s12] =	ssyncadd.s32 $0xFFFFF640  }
.LBB2_4:
0x3f: {  	p0 =	sne.s32 s17, $0x26C0;
	v3 =	vld [tilespmem:s18+$0x0];
	_ =	sdelay $0x1  }
0x40: {  	v4 =	vld [tilespmem:s18+$0xA00];
	_ =	sdelay $0x2  }
0x41: {  	v3 =	vsub.s32 v3, v1  }
0x42: {  	v3 =	vmul.u32 $0xA0, v3  }
0x43: {  	v4 =	vsub.s32 v4, v1  }
0x44: {  	v3 =	vadd.s32 v3, v4  }
.Ltmp1:
0x45: {  	(pc) =	sbr.rel @p0 .LBB2_4-.Ltmp1, $2  }
0x46: {  	_ =	sdelay $0x2  }
0x47: {  	s18 =	sshra.s32 s17, $0x2;
	s17 =	sadd.s32 $0x40, s17;
	[tilespmem:v3+s11+$0x0] =	vst.idx.msk $0xffff, v2  }
0x48: {  	v3 =	vld [tilespmem:s18+$0x0];
	_ =	sdelay $0x1  }
0x49: {  	v4 =	vld [tilespmem:s18+$0xA00];
	_ =	sdelay $0x2  }
0x4a: {  	v3 =	vsub.s32 v3, v1  }
0x4b: {  	v3 =	vmul.u32 $0xA0, v3  }
0x4c: {  	v4 =	vsub.s32 v4, v1  }
0x4d: {  	v3 =	vadd.s32 v3, v4;
	_ =	sdelay $0x2  }
0x4e: {  	s16 =	sadd.s32 $0x1, s16  }
0x4f: {  	p0 =	sne.s32 s16, s10  }
.Ltmp2:
0x50: {  	[tilespmem:v3+s11+$0x0] =	vst.idx.msk $0xffff, v2;
	(pc) =	sbr.rel @p0 .LBB2_1-.Ltmp2, $4  }
0x51: {  	[hbm4b:s9+s14] =	stream.strided.scatter [tilespmem:s11], [sflag:$0x1], $0x6400, s15, s14, $0x38;
	[tilespmem:$0x7800] =	vst v63  }
0x52: {  	_ =	swait.ge [sflag:s12], $0x6400  }
0x53: {  	[sflag:s12] =	ssyncset.done $0x0  }
0x54: {  	[sflag:s12] =	ssyncadd.s32 $0xFFFF9C00  }
0x55: {  	_ =	sfence.sel $0x180000  }
0x56: {  	[bflag:$0x0] =	sbarrier.arrive $0xFFFF  }
0x57: {  	p0 =	sne.s32 s1, $0x0;
	_ =	strace $0x90000047  }
0x58: {  	s0 =	sadd.s32 @!p0 $0x100000, s0;
	[bflag:$0x2] =	sbarrier.arrive $0xFFFF  }
0x59: {  	[sflag:s0] =	ssyncadd.tile.s32 @!p0 $0x1;
	_ =	shalt  }
.Lfunc_end2:
_tile_overlayer_lowered:
.L_overlay_start_2:
0x5a: {  	(tag) =	ssettag $0x2  }
0x5b: {  	s0 =	rddreg [dreg:$0x0];
	s2 =	stileid.u32  }
0x5c: {  	s1 =	rddreg [dreg:$0x1];
	p0 =	sne.s32 s2, $0x0  }
0x5d: {  	s3 =	rddreg [dreg:$0x2];
	[bflag:$0x3] =	sbarrier.arrive $0xFFFF;
	s2 =	simm.s32 @!p0 $0x1C01  }
0x5e: {  	[timem:s3], [sflag:s2] =	dma.local @!p0 [hbm:s0], s1  }
0x5f: {  	s0 =	simm.s32 @!p0 $0x1  }
0x60: {  	_ =	swait.ge @!p0 [sflag:s0], s1  }
0x61: {  	s1 =	ssub.s32 @!p0 $0x0, s1;
	[sflag:s0] =	ssyncset.done @!p0 $0x0  }
0x62: {  	[sflag:s0] =	ssyncadd.s32 @!p0 s1  }
0x63: {  	[bflag:$0x3] =	sbarrier.arrive $0xFFFF  }
0x64: {  	_ =	shalt  }

</sc_bundles>
